<compile_context>
chip_gen: v7x
topology: tpu7x:2x2x1
jax: 0.10.2.dev20260603
libtpu: 0.0.44.dev20260713+nightly
codegen_flags: <defaults>
</compile_context>

<pallas_src>
import functools

import jax
import jax.numpy as jnp
from jax import lax
from jax.experimental import pallas as pl
from jax.experimental.pallas import tpu as pltpu
from jax.experimental.pallas import tpu_sc as plsc

_NC = 2
_NS = 16
_NW = _NC * _NS
_LANE = 16

_D1 = 18
_D2 = 15
_GW = 128
_HALF = 512
_CHUNK = 128


def _sc_gather(idxs, t1, t2, B):
    b_per_w = B // _NW
    mesh = plsc.VectorSubcoreMesh(core_axis_name="c", subcore_axis_name="s")

    @functools.partial(
        pl.kernel,
        mesh=mesh,
        out_type=(
            jax.ShapeDtypeStruct((B, _GW), jnp.float32),
            jax.ShapeDtypeStruct((B, _GW), jnp.float32),
        ),
        scratch_types=[
            pltpu.VMEM((6, b_per_w), jnp.int32),
            pltpu.VMEM((b_per_w,), jnp.int32),
            pltpu.VMEM((b_per_w,), jnp.int32),
            pltpu.VMEM((_HALF, _GW), jnp.float32),
            pltpu.SemaphoreType.DMA,
        ],
    )
    def gather_k(i0, i1, i2, i3, i4, i5, t1_hbm, t2_hbm, out1, out2,
                 idx_raw, idx1, idx2, rows, sem):
        wid = lax.axis_index("s") * _NC + lax.axis_index("c")
        base = wid * b_per_w
        cps = [pltpu.async_copy(i_hbm.at[wid], idx_raw.at[f], sem)
               for f, i_hbm in enumerate((i0, i1, i2, i3, i4, i5))]
        for cp in cps:
            cp.wait()

        @pl.loop(0, b_per_w // _LANE)
        def combine(g):
            sl = pl.ds(g * _LANE, _LANE)
            st = idx_raw[0, sl]
            yr = idx_raw[1, sl]
            mo = idx_raw[2, sl]
            dw = idx_raw[3, sl]
            hr = idx_raw[4, sl]
            se = idx_raw[5, sl]
            idx1[sl] = (st * 48 + yr * 12) + mo
            idx2[sl] = (dw * 96 + hr * 4) + se

        for h in range(b_per_w // _HALF):
            off = h * _HALF
            for tab, idxv, out in ((t1_hbm, idx1, out1), (t2_hbm, idx2, out2)):
                cps = [
                    pltpu.async_copy(
                        tab.at[idxv.at[pl.ds(off + c * _CHUNK, _CHUNK)]],
                        rows.at[pl.ds(c * _CHUNK, _CHUNK)], sem)
                    for c in range(_HALF // _CHUNK)
                ]
                for cp in cps:
                    cp.wait()
                pltpu.sync_copy(rows, out.at[pl.ds(base + off, _HALF)])

    return gather_k(*idxs, t1, t2)


def _mlp_body(e1, e2, w1, b1, w2, b2, w3, b3, w4, b4, w5, b5, out_ref):
    x = jnp.concatenate([e1[...], e2[...]], axis=1).astype(jnp.bfloat16)
    h = jnp.dot(x, w1[...], preferred_element_type=jnp.float32) + b1[...]
    h = jnp.maximum(h, 0.0).astype(jnp.bfloat16)
    h = jnp.dot(h, w2[...], preferred_element_type=jnp.float32) + b2[...]
    h = jnp.maximum(h, 0.0).astype(jnp.bfloat16)
    h = jnp.dot(h, w3[...], preferred_element_type=jnp.float32) + b3[...]
    h = jnp.maximum(h, 0.0).astype(jnp.bfloat16)
    h = jnp.dot(h, w4[...], preferred_element_type=jnp.float32) + b4[...]
    h = jnp.maximum(h, 0.0).astype(jnp.bfloat16)
    z = jnp.dot(h, w5[...], preferred_element_type=jnp.float32) + b5[...]
    out_ref[...] = 1.0 / (1.0 + jnp.exp(-z))


def _mlp(e1, e2, w1p, b1, w2, b2, w3, b3, w4, b4, w5, b5, tile=2048):
    B = e1.shape[0]
    full = lambda arr: pl.BlockSpec(arr.shape, lambda i: (0,) * arr.ndim)
    return pl.pallas_call(
        _mlp_body,
        grid=(B // tile,),
        in_specs=[
            pl.BlockSpec((tile, _GW), lambda i: (i, 0)),
            pl.BlockSpec((tile, _GW), lambda i: (i, 0)),
            full(w1p), full(b1), full(w2), full(b2),
            full(w3), full(b3), full(w4), full(b4),
            full(w5), full(b5),
        ],
        out_specs=pl.BlockSpec((tile, 1), lambda i: (i, 0)),
        out_shape=jax.ShapeDtypeStruct((B, 1), jnp.float32),
    )(e1, e2, w1p, b1, w2, b2, w3, b3, w4, b4, w5, b5)


def kernel(stations, year, month, day_of_week, hour, season,
           E_st, E_yr, E_mo, E_dw, E_hr, E_se,
           W1, b1, W2, b2, W3, b3, W4, b4, W5, b5):
    B = stations.shape[0]

    t1 = jnp.concatenate([
        jnp.broadcast_to(E_st[:, None, None, :], (33, 4, 12, 10)),
        jnp.broadcast_to(E_yr[None, :, None, :], (33, 4, 12, 2)),
        jnp.broadcast_to(E_mo[None, None, :, :], (33, 4, 12, 6)),
    ], axis=-1).reshape(1584, _D1)
    t1 = jnp.pad(t1, ((0, 0), (0, _GW - _D1)))
    t2 = jnp.concatenate([
        jnp.broadcast_to(E_dw[:, None, None, :], (7, 24, 4, 3)),
        jnp.broadcast_to(E_hr[None, :, None, :], (7, 24, 4, 10)),
        jnp.broadcast_to(E_se[None, None, :, :], (7, 24, 4, 2)),
    ], axis=-1).reshape(672, _D2)
    t2 = jnp.pad(t2, ((0, 0), (0, _GW - _D2)))

    bf = jnp.bfloat16
    w1p = jnp.zeros((2 * _GW, W1.shape[1]), bf)
    w1p = lax.dynamic_update_slice(w1p, W1[:_D1].astype(bf), (0, 0))
    w1p = lax.dynamic_update_slice(w1p, W1[_D1:].astype(bf), (_GW, 0))

    b_per_w = B // _NW
    idxs = [a.astype(jnp.int32).reshape(_NW, b_per_w) for a in
            (stations, year, month, day_of_week, hour, season)]
    e1, e2 = _sc_gather(idxs, t1, t2, B)

    return _mlp(e1, e2,
                w1p, b1.reshape(1, -1),
                W2.astype(bf), b2.reshape(1, -1),
                W3.astype(bf), b3.reshape(1, -1),
                W4.astype(bf), b4.reshape(1, -1),
                W5.astype(bf), b5.reshape(1, -1))

# --- scband reference (transcript-rebuilt; emitter-appended) ---
"""Pipeline reference for scband-nn-with-entity-embedding-84061099917642 (READ-ONLY COPY).

The authoritative reference and input builder live on the scoring server;
editing this copy changes nothing except your own understanding.
"""

import jax, jax.numpy as jnp
import numpy as np

B = 16384

def _uniform(key, shape, scale=0.05):
    return jax.random.uniform(key, shape, minval=-scale, maxval=scale, dtype=jnp.float32)

def setup_inputs(seed: int = 0) -> dict:
    key = jax.random.key(seed)
    ks = jax.random.split(key, 24)
    inp = {}
    inp['stations'] = jax.random.randint(ks[0], (B, 1), 0, 33)
    inp['year'] = jax.random.randint(ks[1], (B, 1), 0, 4)
    inp['month'] = jax.random.randint(ks[2], (B, 1), 0, 12)
    inp['day_of_week'] = jax.random.randint(ks[3], (B, 1), 0, 7)
    inp['hour'] = jax.random.randint(ks[4], (B, 1), 0, 24)
    inp['season'] = jax.random.randint(ks[5], (B, 1), 0, 4)
    # embedding tables (vocab, dim) as in __build_keras_model
    inp['E_st'] = _uniform(ks[6], (33, 10))
    inp['E_yr'] = _uniform(ks[7], (4, 2))
    inp['E_mo'] = _uniform(ks[8], (12, 6))
    inp['E_dw'] = _uniform(ks[9], (7, 3))
    inp['E_hr'] = _uniform(ks[10], (24, 10))
    inp['E_se'] = _uniform(ks[11], (4, 2))
    # dense stack: concat dim = 10+2+6+3+10+2 = 33
    inp['W1'] = _uniform(ks[12], (33, 1000)); inp['b1'] = jnp.zeros((1000,), jnp.float32)
    inp['W2'] = _uniform(ks[13], (1000, 500)); inp['b2'] = jnp.zeros((500,), jnp.float32)
    inp['W3'] = _uniform(ks[14], (500, 100)); inp['b3'] = jnp.zeros((100,), jnp.float32)
    inp['W4'] = _uniform(ks[15], (100, 50)); inp['b4'] = jnp.zeros((50,), jnp.float32)
    inp['W5'] = _uniform(ks[16], (50, 1)); inp['b5'] = jnp.zeros((1,), jnp.float32)
    return inp

def reference(stations, year, month, day_of_week, hour, season,
              E_st, E_yr, E_mo, E_dw, E_hr, E_se,
              W1, b1, W2, b2, W3, b3, W4, b4, W5, b5):
    # entity-embedding lookups (Embedding + Reshape per field), then Merge(concat)
    e = jnp.concatenate([
        jnp.take(E_st, stations[:, 0], axis=0),
        jnp.take(E_yr, year[:, 0], axis=0),
        jnp.take(E_mo, month[:, 0], axis=0),
        jnp.take(E_dw, day_of_week[:, 0], axis=0),
        jnp.take(E_hr, hour[:, 0], axis=0),
        jnp.take(E_se, season[:, 0], axis=0),
    ], axis=-1)
    # dropout is identity at inference
    h = jax.nn.relu(e @ W1 + b1)
    h = jax.nn.relu(h @ W2 + b2)
    h = jax.nn.relu(h @ W3 + b3)
    h = jax.nn.relu(h @ W4 + b4)
    out = jax.nn.sigmoid(h @ W5 + b5)
    return out

if __name__ == "__main__":
    import jax
    _d = setup_inputs()
    print(jax.jit(kernel)(*tuple(_d.values())))

</pallas_src>

<mosaic_0001>
#map = affine_map<(d0, d1) -> (0, 0)>
module attributes {stable_mosaic.version = 14 : i64} {
  func.func @gather_k(%arg0: i32, %arg1: i32, %arg2: memref<32x512xi32, #tpu.memory_space<hbm>>, %arg3: memref<32x512xi32, #tpu.memory_space<hbm>>, %arg4: memref<32x512xi32, #tpu.memory_space<hbm>>, %arg5: memref<32x512xi32, #tpu.memory_space<hbm>>, %arg6: memref<32x512xi32, #tpu.memory_space<hbm>>, %arg7: memref<32x512xi32, #tpu.memory_space<hbm>>, %arg8: memref<1584x128xf32, #tpu.memory_space<hbm>>, %arg9: memref<672x128xf32, #tpu.memory_space<hbm>>, %arg10: memref<16384x128xf32, #tpu.memory_space<hbm>>, %arg11: memref<16384x128xf32, #tpu.memory_space<hbm>>, %arg12: memref<6x512xi32, #tpu.memory_space<vmem>>, %arg13: memref<512xi32, #tpu.memory_space<vmem>>, %arg14: memref<512xi32, #tpu.memory_space<vmem>>, %arg15: memref<512x128xf32, #tpu.memory_space<vmem>>, %arg16: memref<!tpu.dma_semaphore, #tpu.memory_space<semaphore_mem>>) attributes {dimension_semantics = [#tpu.dimension_semantics<core_parallel>, #tpu.dimension_semantics<subcore_parallel>], iteration_bounds = array<i64: 2, 16>, scalar_prefetch = 0 : i64, scratch_operands = 5 : i64, tpu.core_type = #tpu.core_type<sc_vector_subcore>, window_params = [{transform_indices = #map}, {transform_indices = #map}, {transform_indices = #map}, {transform_indices = #map}, {transform_indices = #map}, {transform_indices = #map}, {transform_indices = #map}, {transform_indices = #map}, {transform_indices = #map}, {transform_indices = #map}]} {
    %mul3A = arith.constant 2 : i32
    %mul3A_0 = arith.muli %arg1, %mul3A : i32
    %add3A = arith.addi %mul3A_0, %arg0 : i32
    %mul3A_1 = arith.constant 512 : i32
    %mul3A_2 = arith.muli %add3A, %mul3A_1 : i32
    %dma_start3A = arith.constant 0 : i32
    %dma_start3A_3 = arith.constant 0 : i32
    %dma_start3A_4 = tpu.memref_slice %arg12[%dma_start3A, %dma_start3A_3] : memref<6x512xi32, #tpu.memory_space<vmem>> -> memref<1x512xi32, #tpu.memory_space<vmem>>
    %dma_start3A_5 = tpu.memref_squeeze %dma_start3A_4 : memref<1x512xi32, #tpu.memory_space<vmem>> -> memref<512xi32, #tpu.memory_space<vmem>>
    %dma_start3A_6 = arith.constant 0 : i32
    %dma_start3A_7 = tpu.memref_slice %arg2[%add3A, %dma_start3A_6] : memref<32x512xi32, #tpu.memory_space<hbm>> -> memref<1x512xi32, #tpu.memory_space<hbm>>
    %dma_start3A_8 = tpu.memref_squeeze %dma_start3A_7 : memref<1x512xi32, #tpu.memory_space<hbm>> -> memref<512xi32, #tpu.memory_space<hbm>>
    %dma_start3A_9 = arith.constant 0 : i32
    %dma_start3A_10 = tpu.memref_slice %arg12[%dma_start3A, %dma_start3A_9] : memref<6x512xi32, #tpu.memory_space<vmem>> -> memref<1x512xi32, #tpu.memory_space<vmem>>
    %dma_start3A_11 = tpu.memref_squeeze %dma_start3A_10 : memref<1x512xi32, #tpu.memory_space<vmem>> -> memref<512xi32, #tpu.memory_space<vmem>>
    %dma_start3A_12 = arith.constant 0 : i32
    %dma_start3A_13 = tpu.memref_slice %arg2[%add3A, %dma_start3A_12] : memref<32x512xi32, #tpu.memory_space<hbm>> -> memref<1x512xi32, #tpu.memory_space<hbm>>
    %dma_start3A_14 = tpu.memref_squeeze %dma_start3A_13 : memref<1x512xi32, #tpu.memory_space<hbm>> -> memref<512xi32, #tpu.memory_space<hbm>>
    tpu.enqueue_dma source(%dma_start3A_14 : memref<512xi32, #tpu.memory_space<hbm>>) target(%dma_start3A_11 : memref<512xi32, #tpu.memory_space<vmem>>) target_semaphore(%arg16 : memref<!tpu.dma_semaphore, #tpu.memory_space<semaphore_mem>>)
    %dma_start3A_15 = arith.constant 1 : i32
    %dma_start3A_16 = arith.constant 0 : i32
    %dma_start3A_17 = tpu.memref_slice %arg12[%dma_start3A_15, %dma_start3A_16] : memref<6x512xi32, #tpu.memory_space<vmem>> -> memref<1x512xi32, #tpu.memory_space<vmem>>
    %dma_start3A_18 = tpu.memref_squeeze %dma_start3A_17 : memref<1x512xi32, #tpu.memory_space<vmem>> -> memref<512xi32, #tpu.memory_space<vmem>>
    %dma_start3A_19 = arith.constant 0 : i32
    %dma_start3A_20 = tpu.memref_slice %arg3[%add3A, %dma_start3A_19] : memref<32x512xi32, #tpu.memory_space<hbm>> -> memref<1x512xi32, #tpu.memory_space<hbm>>
    %dma_start3A_21 = tpu.memref_squeeze %dma_start3A_20 : memref<1x512xi32, #tpu.memory_space<hbm>> -> memref<512xi32, #tpu.memory_space<hbm>>
    %dma_start3A_22 = arith.constant 0 : i32
    %dma_start3A_23 = tpu.memref_slice %arg12[%dma_start3A_15, %dma_start3A_22] : memref<6x512xi32, #tpu.memory_space<vmem>> -> memref<1x512xi32, #tpu.memory_space<vmem>>
    %dma_start3A_24 = tpu.memref_squeeze %dma_start3A_23 : memref<1x512xi32, #tpu.memory_space<vmem>> -> memref<512xi32, #tpu.memory_space<vmem>>
    %dma_start3A_25 = arith.constant 0 : i32
    %dma_start3A_26 = tpu.memref_slice %arg3[%add3A, %dma_start3A_25] : memref<32x512xi32, #tpu.memory_space<hbm>> -> memref<1x512xi32, #tpu.memory_space<hbm>>
    %dma_start3A_27 = tpu.memref_squeeze %dma_start3A_26 : memref<1x512xi32, #tpu.memory_space<hbm>> -> memref<512xi32, #tpu.memory_space<hbm>>
    tpu.enqueue_dma source(%dma_start3A_27 : memref<512xi32, #tpu.memory_space<hbm>>) target(%dma_start3A_24 : memref<512xi32, #tpu.memory_space<vmem>>) target_semaphore(%arg16 : memref<!tpu.dma_semaphore, #tpu.memory_space<semaphore_mem>>)
    %dma_start3A_28 = arith.constant 2 : i32
    %dma_start3A_29 = arith.constant 0 : i32
    %dma_start3A_30 = tpu.memref_slice %arg12[%dma_start3A_28, %dma_start3A_29] : memref<6x512xi32, #tpu.memory_space<vmem>> -> memref<1x512xi32, #tpu.memory_space<vmem>>
    %dma_start3A_31 = tpu.memref_squeeze %dma_start3A_30 : memref<1x512xi32, #tpu.memory_space<vmem>> -> memref<512xi32, #tpu.memory_space<vmem>>
    %dma_start3A_32 = arith.constant 0 : i32
    %dma_start3A_33 = tpu.memref_slice %arg4[%add3A, %dma_start3A_32] : memref<32x512xi32, #tpu.memory_space<hbm>> -> memref<1x512xi32, #tpu.memory_space<hbm>>
    %dma_start3A_34 = tpu.memref_squeeze %dma_start3A_33 : memref<1x512xi32, #tpu.memory_space<hbm>> -> memref<512xi32, #tpu.memory_space<hbm>>
    %dma_start3A_35 = arith.constant 0 : i32
    %dma_start3A_36 = tpu.memref_slice %arg12[%dma_start3A_28, %dma_start3A_35] : memref<6x512xi32, #tpu.memory_space<vmem>> -> memref<1x512xi32, #tpu.memory_space<vmem>>
    %dma_start3A_37 = tpu.memref_squeeze %dma_start3A_36 : memref<1x512xi32, #tpu.memory_space<vmem>> -> memref<512xi32, #tpu.memory_space<vmem>>
    %dma_start3A_38 = arith.constant 0 : i32
    %dma_start3A_39 = tpu.memref_slice %arg4[%add3A, %dma_start3A_38] : memref<32x512xi32, #tpu.memory_space<hbm>> -> memref<1x512xi32, #tpu.memory_space<hbm>>
    %dma_start3A_40 = tpu.memref_squeeze %dma_start3A_39 : memref<1x512xi32, #tpu.memory_space<hbm>> -> memref<512xi32, #tpu.memory_space<hbm>>
    tpu.enqueue_dma source(%dma_start3A_40 : memref<512xi32, #tpu.memory_space<hbm>>) target(%dma_start3A_37 : memref<512xi32, #tpu.memory_space<vmem>>) target_semaphore(%arg16 : memref<!tpu.dma_semaphore, #tpu.memory_space<semaphore_mem>>)
    %dma_start3A_41 = arith.constant 3 : i32
    %dma_start3A_42 = arith.constant 0 : i32
    %dma_start3A_43 = tpu.memref_slice %arg12[%dma_start3A_41, %dma_start3A_42] : memref<6x512xi32, #tpu.memory_space<vmem>> -> memref<1x512xi32, #tpu.memory_space<vmem>>
    %dma_start3A_44 = tpu.memref_squeeze %dma_start3A_43 : memref<1x512xi32, #tpu.memory_space<vmem>> -> memref<512xi32, #tpu.memory_space<vmem>>
    %dma_start3A_45 = arith.constant 0 : i32
    %dma_start3A_46 = tpu.memref_slice %arg5[%add3A, %dma_start3A_45] : memref<32x512xi32, #tpu.memory_space<hbm>> -> memref<1x512xi32, #tpu.memory_space<hbm>>
    %dma_start3A_47 = tpu.memref_squeeze %dma_start3A_46 : memref<1x512xi32, #tpu.memory_space<hbm>> -> memref<512xi32, #tpu.memory_space<hbm>>
    %dma_start3A_48 = arith.constant 0 : i32
    %dma_start3A_49 = tpu.memref_slice %arg12[%dma_start3A_41, %dma_start3A_48] : memref<6x512xi32, #tpu.memory_space<vmem>> -> memref<1x512xi32, #tpu.memory_space<vmem>>
    %dma_start3A_50 = tpu.memref_squeeze %dma_start3A_49 : memref<1x512xi32, #tpu.memory_space<vmem>> -> memref<512xi32, #tpu.memory_space<vmem>>
    %dma_start3A_51 = arith.constant 0 : i32
    %dma_start3A_52 = tpu.memref_slice %arg5[%add3A, %dma_start3A_51] : memref<32x512xi32, #tpu.memory_space<hbm>> -> memref<1x512xi32, #tpu.memory_space<hbm>>
    %dma_start3A_53 = tpu.memref_squeeze %dma_start3A_52 : memref<1x512xi32, #tpu.memory_space<hbm>> -> memref<512xi32, #tpu.memory_space<hbm>>
    tpu.enqueue_dma source(%dma_start3A_53 : memref<512xi32, #tpu.memory_space<hbm>>) target(%dma_start3A_50 : memref<512xi32, #tpu.memory_space<vmem>>) target_semaphore(%arg16 : memref<!tpu.dma_semaphore, #tpu.memory_space<semaphore_mem>>)
    %dma_start3A_54 = arith.constant 4 : i32
    %dma_start3A_55 = arith.constant 0 : i32
    %dma_start3A_56 = tpu.memref_slice %arg12[%dma_start3A_54, %dma_start3A_55] : memref<6x512xi32, #tpu.memory_space<vmem>> -> memref<1x512xi32, #tpu.memory_space<vmem>>
    %dma_start3A_57 = tpu.memref_squeeze %dma_start3A_56 : memref<1x512xi32, #tpu.memory_space<vmem>> -> memref<512xi32, #tpu.memory_space<vmem>>
    %dma_start3A_58 = arith.constant 0 : i32
    %dma_start3A_59 = tpu.memref_slice %arg6[%add3A, %dma_start3A_58] : memref<32x512xi32, #tpu.memory_space<hbm>> -> memref<1x512xi32, #tpu.memory_space<hbm>>
    %dma_start3A_60 = tpu.memref_squeeze %dma_start3A_59 : memref<1x512xi32, #tpu.memory_space<hbm>> -> memref<512xi32, #tpu.memory_space<hbm>>
    %dma_start3A_61 = arith.constant 0 : i32
    %dma_start3A_62 = tpu.memref_slice %arg12[%dma_start3A_54, %dma_start3A_61] : memref<6x512xi32, #tpu.memory_space<vmem>> -> memref<1x512xi32, #tpu.memory_space<vmem>>
    %dma_start3A_63 = tpu.memref_squeeze %dma_start3A_62 : memref<1x512xi32, #tpu.memory_space<vmem>> -> memref<512xi32, #tpu.memory_space<vmem>>
    %dma_start3A_64 = arith.constant 0 : i32
    %dma_start3A_65 = tpu.memref_slice %arg6[%add3A, %dma_start3A_64] : memref<32x512xi32, #tpu.memory_space<hbm>> -> memref<1x512xi32, #tpu.memory_space<hbm>>
    %dma_start3A_66 = tpu.memref_squeeze %dma_start3A_65 : memref<1x512xi32, #tpu.memory_space<hbm>> -> memref<512xi32, #tpu.memory_space<hbm>>
    tpu.enqueue_dma source(%dma_start3A_66 : memref<512xi32, #tpu.memory_space<hbm>>) target(%dma_start3A_63 : memref<512xi32, #tpu.memory_space<vmem>>) target_semaphore(%arg16 : memref<!tpu.dma_semaphore, #tpu.memory_space<semaphore_mem>>)
    %dma_start3A_67 = arith.constant 5 : i32
    %dma_start3A_68 = arith.constant 0 : i32
    %dma_start3A_69 = tpu.memref_slice %arg12[%dma_start3A_67, %dma_start3A_68] : memref<6x512xi32, #tpu.memory_space<vmem>> -> memref<1x512xi32, #tpu.memory_space<vmem>>
    %dma_start3A_70 = tpu.memref_squeeze %dma_start3A_69 : memref<1x512xi32, #tpu.memory_space<vmem>> -> memref<512xi32, #tpu.memory_space<vmem>>
    %dma_start3A_71 = arith.constant 0 : i32
    %dma_start3A_72 = tpu.memref_slice %arg7[%add3A, %dma_start3A_71] : memref<32x512xi32, #tpu.memory_space<hbm>> -> memref<1x512xi32, #tpu.memory_space<hbm>>
    %dma_start3A_73 = tpu.memref_squeeze %dma_start3A_72 : memref<1x512xi32, #tpu.memory_space<hbm>> -> memref<512xi32, #tpu.memory_space<hbm>>
    %dma_start3A_74 = arith.constant 0 : i32
    %dma_start3A_75 = tpu.memref_slice %arg12[%dma_start3A_67, %dma_start3A_74] : memref<6x512xi32, #tpu.memory_space<vmem>> -> memref<1x512xi32, #tpu.memory_space<vmem>>
    %dma_start3A_76 = tpu.memref_squeeze %dma_start3A_75 : memref<1x512xi32, #tpu.memory_space<vmem>> -> memref<512xi32, #tpu.memory_space<vmem>>
    %dma_start3A_77 = arith.constant 0 : i32
    %dma_start3A_78 = tpu.memref_slice %arg7[%add3A, %dma_start3A_77] : memref<32x512xi32, #tpu.memory_space<hbm>> -> memref<1x512xi32, #tpu.memory_space<hbm>>
    %dma_start3A_79 = tpu.memref_squeeze %dma_start3A_78 : memref<1x512xi32, #tpu.memory_space<hbm>> -> memref<512xi32, #tpu.memory_space<hbm>>
    tpu.enqueue_dma source(%dma_start3A_79 : memref<512xi32, #tpu.memory_space<hbm>>) target(%dma_start3A_76 : memref<512xi32, #tpu.memory_space<vmem>>) target_semaphore(%arg16 : memref<!tpu.dma_semaphore, #tpu.memory_space<semaphore_mem>>)
    %dma_wait3A = arith.constant 0 : i32
    %dma_wait3A_80 = arith.constant 0 : i32
    %dma_wait3A_81 = tpu.memref_slice %arg12[%dma_wait3A, %dma_wait3A_80] : memref<6x512xi32, #tpu.memory_space<vmem>> -> memref<1x512xi32, #tpu.memory_space<vmem>>
    %dma_wait3A_82 = tpu.memref_squeeze %dma_wait3A_81 : memref<1x512xi32, #tpu.memory_space<vmem>> -> memref<512xi32, #tpu.memory_space<vmem>>
    %dma_wait3A_83 = arith.constant 0 : i32
    %dma_wait3A_84 = tpu.memref_slice %arg2[%add3A, %dma_wait3A_83] : memref<32x512xi32, #tpu.memory_space<hbm>> -> memref<1x512xi32, #tpu.memory_space<hbm>>
    %dma_wait3A_85 = tpu.memref_squeeze %dma_wait3A_84 : memref<1x512xi32, #tpu.memory_space<hbm>> -> memref<512xi32, #tpu.memory_space<hbm>>
    %dma_wait3A_86 = arith.constant 0 : i32
    %dma_wait3A_87 = tpu.memref_slice %arg12[%dma_wait3A, %dma_wait3A_86] : memref<6x512xi32, #tpu.memory_space<vmem>> -> memref<1x512xi32, #tpu.memory_space<vmem>>
    %dma_wait3A_88 = tpu.memref_squeeze %dma_wait3A_87 : memref<1x512xi32, #tpu.memory_space<vmem>> -> memref<512xi32, #tpu.memory_space<vmem>>
    %dma_wait3A_89 = arith.constant 0 : i32
    %dma_wait3A_90 = tpu.memref_slice %arg2[%add3A, %dma_wait3A_89] : memref<32x512xi32, #tpu.memory_space<hbm>> -> memref<1x512xi32, #tpu.memory_space<hbm>>
    %dma_wait3A_91 = tpu.memref_squeeze %dma_wait3A_90 : memref<1x512xi32, #tpu.memory_space<hbm>> -> memref<512xi32, #tpu.memory_space<hbm>>
    tpu.wait_dma2 semaphore(%arg16 : memref<!tpu.dma_semaphore, #tpu.memory_space<semaphore_mem>>) src(%dma_wait3A_91 : memref<512xi32, #tpu.memory_space<hbm>>) dst(%dma_wait3A_88 : memref<512xi32, #tpu.memory_space<vmem>>)
    %dma_wait3A_92 = arith.constant 1 : i32
    %dma_wait3A_93 = arith.constant 0 : i32
    %dma_wait3A_94 = tpu.memref_slice %arg12[%dma_wait3A_92, %dma_wait3A_93] : memref<6x512xi32, #tpu.memory_space<vmem>> -> memref<1x512xi32, #tpu.memory_space<vmem>>
    %dma_wait3A_95 = tpu.memref_squeeze %dma_wait3A_94 : memref<1x512xi32, #tpu.memory_space<vmem>> -> memref<512xi32, #tpu.memory_space<vmem>>
    %dma_wait3A_96 = arith.constant 0 : i32
    %dma_wait3A_97 = tpu.memref_slice %arg3[%add3A, %dma_wait3A_96] : memref<32x512xi32, #tpu.memory_space<hbm>> -> memref<1x512xi32, #tpu.memory_space<hbm>>
    %dma_wait3A_98 = tpu.memref_squeeze %dma_wait3A_97 : memref<1x512xi32, #tpu.memory_space<hbm>> -> memref<512xi32, #tpu.memory_space<hbm>>
    %dma_wait3A_99 = arith.constant 0 : i32
    %dma_wait3A_100 = tpu.memref_slice %arg12[%dma_wait3A_92, %dma_wait3A_99] : memref<6x512xi32, #tpu.memory_space<vmem>> -> memref<1x512xi32, #tpu.memory_space<vmem>>
    %dma_wait3A_101 = tpu.memref_squeeze %dma_wait3A_100 : memref<1x512xi32, #tpu.memory_space<vmem>> -> memref<512xi32, #tpu.memory_space<vmem>>
    %dma_wait3A_102 = arith.constant 0 : i32
    %dma_wait3A_103 = tpu.memref_slice %arg3[%add3A, %dma_wait3A_102] : memref<32x512xi32, #tpu.memory_space<hbm>> -> memref<1x512xi32, #tpu.memory_space<hbm>>
    %dma_wait3A_104 = tpu.memref_squeeze %dma_wait3A_103 : memref<1x512xi32, #tpu.memory_space<hbm>> -> memref<512xi32, #tpu.memory_space<hbm>>
    tpu.wait_dma2 semaphore(%arg16 : memref<!tpu.dma_semaphore, #tpu.memory_space<semaphore_mem>>) src(%dma_wait3A_104 : memref<512xi32, #tpu.memory_space<hbm>>) dst(%dma_wait3A_101 : memref<512xi32, #tpu.memory_space<vmem>>)
    %dma_wait3A_105 = arith.constant 2 : i32
    %dma_wait3A_106 = arith.constant 0 : i32
    %dma_wait3A_107 = tpu.memref_slice %arg12[%dma_wait3A_105, %dma_wait3A_106] : memref<6x512xi32, #tpu.memory_space<vmem>> -> memref<1x512xi32, #tpu.memory_space<vmem>>
    %dma_wait3A_108 = tpu.memref_squeeze %dma_wait3A_107 : memref<1x512xi32, #tpu.memory_space<vmem>> -> memref<512xi32, #tpu.memory_space<vmem>>
    %dma_wait3A_109 = arith.constant 0 : i32
    %dma_wait3A_110 = tpu.memref_slice %arg4[%add3A, %dma_wait3A_109] : memref<32x512xi32, #tpu.memory_space<hbm>> -> memref<1x512xi32, #tpu.memory_space<hbm>>
    %dma_wait3A_111 = tpu.memref_squeeze %dma_wait3A_110 : memref<1x512xi32, #tpu.memory_space<hbm>> -> memref<512xi32, #tpu.memory_space<hbm>>
    %dma_wait3A_112 = arith.constant 0 : i32
    %dma_wait3A_113 = tpu.memref_slice %arg12[%dma_wait3A_105, %dma_wait3A_112] : memref<6x512xi32, #tpu.memory_space<vmem>> -> memref<1x512xi32, #tpu.memory_space<vmem>>
    %dma_wait3A_114 = tpu.memref_squeeze %dma_wait3A_113 : memref<1x512xi32, #tpu.memory_space<vmem>> -> memref<512xi32, #tpu.memory_space<vmem>>
    %dma_wait3A_115 = arith.constant 0 : i32
    %dma_wait3A_116 = tpu.memref_slice %arg4[%add3A, %dma_wait3A_115] : memref<32x512xi32, #tpu.memory_space<hbm>> -> memref<1x512xi32, #tpu.memory_space<hbm>>
    %dma_wait3A_117 = tpu.memref_squeeze %dma_wait3A_116 : memref<1x512xi32, #tpu.memory_space<hbm>> -> memref<512xi32, #tpu.memory_space<hbm>>
    tpu.wait_dma2 semaphore(%arg16 : memref<!tpu.dma_semaphore, #tpu.memory_space<semaphore_mem>>) src(%dma_wait3A_117 : memref<512xi32, #tpu.memory_space<hbm>>) dst(%dma_wait3A_114 : memref<512xi32, #tpu.memory_space<vmem>>)
    %dma_wait3A_118 = arith.constant 3 : i32
    %dma_wait3A_119 = arith.constant 0 : i32
    %dma_wait3A_120 = tpu.memref_slice %arg12[%dma_wait3A_118, %dma_wait3A_119] : memref<6x512xi32, #tpu.memory_space<vmem>> -> memref<1x512xi32, #tpu.memory_space<vmem>>
    %dma_wait3A_121 = tpu.memref_squeeze %dma_wait3A_120 : memref<1x512xi32, #tpu.memory_space<vmem>> -> memref<512xi32, #tpu.memory_space<vmem>>
    %dma_wait3A_122 = arith.constant 0 : i32
    %dma_wait3A_123 = tpu.memref_slice %arg5[%add3A, %dma_wait3A_122] : memref<32x512xi32, #tpu.memory_space<hbm>> -> memref<1x512xi32, #tpu.memory_space<hbm>>
    %dma_wait3A_124 = tpu.memref_squeeze %dma_wait3A_123 : memref<1x512xi32, #tpu.memory_space<hbm>> -> memref<512xi32, #tpu.memory_space<hbm>>
    %dma_wait3A_125 = arith.constant 0 : i32
    %dma_wait3A_126 = tpu.memref_slice %arg12[%dma_wait3A_118, %dma_wait3A_125] : memref<6x512xi32, #tpu.memory_space<vmem>> -> memref<1x512xi32, #tpu.memory_space<vmem>>
    %dma_wait3A_127 = tpu.memref_squeeze %dma_wait3A_126 : memref<1x512xi32, #tpu.memory_space<vmem>> -> memref<512xi32, #tpu.memory_space<vmem>>
    %dma_wait3A_128 = arith.constant 0 : i32
    %dma_wait3A_129 = tpu.memref_slice %arg5[%add3A, %dma_wait3A_128] : memref<32x512xi32, #tpu.memory_space<hbm>> -> memref<1x512xi32, #tpu.memory_space<hbm>>
    %dma_wait3A_130 = tpu.memref_squeeze %dma_wait3A_129 : memref<1x512xi32, #tpu.memory_space<hbm>> -> memref<512xi32, #tpu.memory_space<hbm>>
    tpu.wait_dma2 semaphore(%arg16 : memref<!tpu.dma_semaphore, #tpu.memory_space<semaphore_mem>>) src(%dma_wait3A_130 : memref<512xi32, #tpu.memory_space<hbm>>) dst(%dma_wait3A_127 : memref<512xi32, #tpu.memory_space<vmem>>)
    %dma_wait3A_131 = arith.constant 4 : i32
    %dma_wait3A_132 = arith.constant 0 : i32
    %dma_wait3A_133 = tpu.memref_slice %arg12[%dma_wait3A_131, %dma_wait3A_132] : memref<6x512xi32, #tpu.memory_space<vmem>> -> memref<1x512xi32, #tpu.memory_space<vmem>>
    %dma_wait3A_134 = tpu.memref_squeeze %dma_wait3A_133 : memref<1x512xi32, #tpu.memory_space<vmem>> -> memref<512xi32, #tpu.memory_space<vmem>>
    %dma_wait3A_135 = arith.constant 0 : i32
    %dma_wait3A_136 = tpu.memref_slice %arg6[%add3A, %dma_wait3A_135] : memref<32x512xi32, #tpu.memory_space<hbm>> -> memref<1x512xi32, #tpu.memory_space<hbm>>
    %dma_wait3A_137 = tpu.memref_squeeze %dma_wait3A_136 : memref<1x512xi32, #tpu.memory_space<hbm>> -> memref<512xi32, #tpu.memory_space<hbm>>
    %dma_wait3A_138 = arith.constant 0 : i32
    %dma_wait3A_139 = tpu.memref_slice %arg12[%dma_wait3A_131, %dma_wait3A_138] : memref<6x512xi32, #tpu.memory_space<vmem>> -> memref<1x512xi32, #tpu.memory_space<vmem>>
    %dma_wait3A_140 = tpu.memref_squeeze %dma_wait3A_139 : memref<1x512xi32, #tpu.memory_space<vmem>> -> memref<512xi32, #tpu.memory_space<vmem>>
    %dma_wait3A_141 = arith.constant 0 : i32
    %dma_wait3A_142 = tpu.memref_slice %arg6[%add3A, %dma_wait3A_141] : memref<32x512xi32, #tpu.memory_space<hbm>> -> memref<1x512xi32, #tpu.memory_space<hbm>>
    %dma_wait3A_143 = tpu.memref_squeeze %dma_wait3A_142 : memref<1x512xi32, #tpu.memory_space<hbm>> -> memref<512xi32, #tpu.memory_space<hbm>>
    tpu.wait_dma2 semaphore(%arg16 : memref<!tpu.dma_semaphore, #tpu.memory_space<semaphore_mem>>) src(%dma_wait3A_143 : memref<512xi32, #tpu.memory_space<hbm>>) dst(%dma_wait3A_140 : memref<512xi32, #tpu.memory_space<vmem>>)
    %dma_wait3A_144 = arith.constant 5 : i32
    %dma_wait3A_145 = arith.constant 0 : i32
    %dma_wait3A_146 = tpu.memref_slice %arg12[%dma_wait3A_144, %dma_wait3A_145] : memref<6x512xi32, #tpu.memory_space<vmem>> -> memref<1x512xi32, #tpu.memory_space<vmem>>
    %dma_wait3A_147 = tpu.memref_squeeze %dma_wait3A_146 : memref<1x512xi32, #tpu.memory_space<vmem>> -> memref<512xi32, #tpu.memory_space<vmem>>
    %dma_wait3A_148 = arith.constant 0 : i32
    %dma_wait3A_149 = tpu.memref_slice %arg7[%add3A, %dma_wait3A_148] : memref<32x512xi32, #tpu.memory_space<hbm>> -> memref<1x512xi32, #tpu.memory_space<hbm>>
    %dma_wait3A_150 = tpu.memref_squeeze %dma_wait3A_149 : memref<1x512xi32, #tpu.memory_space<hbm>> -> memref<512xi32, #tpu.memory_space<hbm>>
    %dma_wait3A_151 = arith.constant 0 : i32
    %dma_wait3A_152 = tpu.memref_slice %arg12[%dma_wait3A_144, %dma_wait3A_151] : memref<6x512xi32, #tpu.memory_space<vmem>> -> memref<1x512xi32, #tpu.memory_space<vmem>>
    %dma_wait3A_153 = tpu.memref_squeeze %dma_wait3A_152 : memref<1x512xi32, #tpu.memory_space<vmem>> -> memref<512xi32, #tpu.memory_space<vmem>>
    %dma_wait3A_154 = arith.constant 0 : i32
    %dma_wait3A_155 = tpu.memref_slice %arg7[%add3A, %dma_wait3A_154] : memref<32x512xi32, #tpu.memory_space<hbm>> -> memref<1x512xi32, #tpu.memory_space<hbm>>
    %dma_wait3A_156 = tpu.memref_squeeze %dma_wait3A_155 : memref<1x512xi32, #tpu.memory_space<hbm>> -> memref<512xi32, #tpu.memory_space<hbm>>
    tpu.wait_dma2 semaphore(%arg16 : memref<!tpu.dma_semaphore, #tpu.memory_space<semaphore_mem>>) src(%dma_wait3A_156 : memref<512xi32, #tpu.memory_space<hbm>>) dst(%dma_wait3A_153 : memref<512xi32, #tpu.memory_space<vmem>>)
    %scan3A = arith.constant 0 : i32
    %scan3A_157 = arith.constant 32 : i32
    %scan3A_158 = arith.addi %scan3A, %scan3A_157 : i32
    %scan3A_159 = arith.constant 1 : i32
    scf.for %scan3A_293 = %scan3A to %scan3A_158 step %scan3A_159  : i32 {
      %mul3A_294 = arith.constant 1 : i32
      %mul3A_295 = arith.muli %scan3A_293, %mul3A_294 : i32
      %add3A_296 = arith.constant 0 : i32
      %add3A_297 = arith.addi %add3A_296, %mul3A_295 : i32
      %mul3A_298 = arith.constant 16 : i32
      %mul3A_299 = arith.muli %add3A_297, %mul3A_298 : i32
      %get3A = arith.constant 0 : i32
      %get3A_300 = arith.index_cast %get3A : i32 to index
      %get3A_301 = arith.index_cast %mul3A_299 : i32 to index
      %get3A_302 = tpu.vector_load %arg12[%get3A_300, %get3A_301] {strides = array<i32>} : memref<6x512xi32, #tpu.memory_space<vmem>>, vector<1x16xi32>,
      %get3A_303 = vector.shape_cast %get3A_302 : vector<1x16xi32> to vector<16xi32>
      %get3A_304 = arith.constant 1 : i32
      %get3A_305 = arith.index_cast %get3A_304 : i32 to index
      %get3A_306 = arith.index_cast %mul3A_299 : i32 to index
      %get3A_307 = tpu.vector_load %arg12[%get3A_305, %get3A_306] {strides = array<i32>} : memref<6x512xi32, #tpu.memory_space<vmem>>, vector<1x16xi32>,
      %get3A_308 = vector.shape_cast %get3A_307 : vector<1x16xi32> to vector<16xi32>
      %get3A_309 = arith.constant 2 : i32
      %get3A_310 = arith.index_cast %get3A_309 : i32 to index
      %get3A_311 = arith.index_cast %mul3A_299 : i32 to index
      %get3A_312 = tpu.vector_load %arg12[%get3A_310, %get3A_311] {strides = array<i32>} : memref<6x512xi32, #tpu.memory_space<vmem>>, vector<1x16xi32>,
      %get3A_313 = vector.shape_cast %get3A_312 : vector<1x16xi32> to vector<16xi32>
      %get3A_314 = arith.constant 3 : i32
      %get3A_315 = arith.index_cast %get3A_314 : i32 to index
      %get3A_316 = arith.index_cast %mul3A_299 : i32 to index
      %get3A_317 = tpu.vector_load %arg12[%get3A_315, %get3A_316] {strides = array<i32>} : memref<6x512xi32, #tpu.memory_space<vmem>>, vector<1x16xi32>,
      %get3A_318 = vector.shape_cast %get3A_317 : vector<1x16xi32> to vector<16xi32>
      %get3A_319 = arith.constant 4 : i32
      %get3A_320 = arith.index_cast %get3A_319 : i32 to index
      %get3A_321 = arith.index_cast %mul3A_299 : i32 to index
      %get3A_322 = tpu.vector_load %arg12[%get3A_320, %get3A_321] {strides = array<i32>} : memref<6x512xi32, #tpu.memory_space<vmem>>, vector<1x16xi32>,
      %get3A_323 = vector.shape_cast %get3A_322 : vector<1x16xi32> to vector<16xi32>
      %get3A_324 = arith.constant 5 : i32
      %get3A_325 = arith.index_cast %get3A_324 : i32 to index
      %get3A_326 = arith.index_cast %mul3A_299 : i32 to index
      %get3A_327 = tpu.vector_load %arg12[%get3A_325, %get3A_326] {strides = array<i32>} : memref<6x512xi32, #tpu.memory_space<vmem>>, vector<1x16xi32>,
      %get3A_328 = vector.shape_cast %get3A_327 : vector<1x16xi32> to vector<16xi32>
      %mul3A_329 = arith.constant 48 : i32
      %mul3A_330 = vector.broadcast %mul3A_329 : i32 to vector<16xi32>
      %mul3A_331 = arith.muli %get3A_303, %mul3A_330 : vector<16xi32>
      %mul3A_332 = arith.constant 12 : i32
      %mul3A_333 = vector.broadcast %mul3A_332 : i32 to vector<16xi32>
      %mul3A_334 = arith.muli %get3A_308, %mul3A_333 : vector<16xi32>
      %add3A_335 = arith.addi %mul3A_331, %mul3A_334 : vector<16xi32>
      %add3A_336 = arith.addi %add3A_335, %get3A_313 : vector<16xi32>
      %swap3A = arith.index_cast %mul3A_299 : i32 to index
      %swap3A_337 = tpu.vector_load %arg13[%swap3A] {strides = array<i32>} : memref<512xi32, #tpu.memory_space<vmem>>, vector<16xi32>,
      %swap3A_338 = vector.shape_cast %swap3A_337 : vector<16xi32> to vector<16xi32>
      %swap3A_339 = vector.shape_cast %add3A_336 : vector<16xi32> to vector<16xi32>
      tpu.vector_store %arg13[%swap3A], %swap3A_339 {strides = array<i32>} : memref<512xi32, #tpu.memory_space<vmem>>, vector<16xi32>,
      %mul3A_340 = arith.constant 96 : i32
      %mul3A_341 = vector.broadcast %mul3A_340 : i32 to vector<16xi32>
      %mul3A_342 = arith.muli %get3A_318, %mul3A_341 : vector<16xi32>
      %mul3A_343 = arith.constant 4 : i32
      %mul3A_344 = vector.broadcast %mul3A_343 : i32 to vector<16xi32>
      %mul3A_345 = arith.muli %get3A_323, %mul3A_344 : vector<16xi32>
      %add3A_346 = arith.addi %mul3A_342, %mul3A_345 : vector<16xi32>
      %add3A_347 = arith.addi %add3A_346, %get3A_328 : vector<16xi32>
      %swap3A_348 = arith.index_cast %mul3A_299 : i32 to index
      %swap3A_349 = tpu.vector_load %arg14[%swap3A_348] {strides = array<i32>} : memref<512xi32, #tpu.memory_space<vmem>>, vector<16xi32>,
      %swap3A_350 = vector.shape_cast %swap3A_349 : vector<16xi32> to vector<16xi32>
      %swap3A_351 = vector.shape_cast %add3A_347 : vector<16xi32> to vector<16xi32>
      tpu.vector_store %arg14[%swap3A_348], %swap3A_351 {strides = array<i32>} : memref<512xi32, #tpu.memory_space<vmem>>, vector<16xi32>,
    }
    %scan3A_160 = arith.constant 32 : i32
    %dma_start3A_161 = arith.constant 0 : i32
    %dma_start3A_162 = arith.constant 0 : i32
    %dma_start3A_163 = tpu.memref_slice %arg15[%dma_start3A_161, %dma_start3A_162] : memref<512x128xf32, #tpu.memory_space<vmem>> -> memref<128x128xf32, #tpu.memory_space<vmem>>
    %dma_start3A_164 = arith.constant 0 : i32
    %dma_start3A_165 = tpu.memref_slice %arg13[%dma_start3A_164] : memref<512xi32, #tpu.memory_space<vmem>> -> memref<128xi32, #tpu.memory_space<vmem>>
    %dma_start3A_166 = arith.constant 0 : i32
    %dma_start3A_167 = arith.constant 0 : i32
    %dma_start3A_168 = tpu.memref_slice %arg8[%dma_start3A_166, %dma_start3A_167] : memref<1584x128xf32, #tpu.memory_space<hbm>> -> memref<1584x128xf32, #tpu.memory_space<hbm>>
    tpu.enqueue_indirect_dma source(%dma_start3A_168 : memref<1584x128xf32, #tpu.memory_space<hbm>>) target(%dma_start3A_163 : memref<128x128xf32, #tpu.memory_space<vmem>>) offsets(%dma_start3A_165 : memref<128xi32, #tpu.memory_space<vmem>>) semaphore(%arg16 : memref<!tpu.dma_semaphore, #tpu.memory_space<semaphore_mem>>)
    %dma_start3A_169 = arith.constant 128 : i32
    %dma_start3A_170 = arith.constant 0 : i32
    %dma_start3A_171 = tpu.memref_slice %arg15[%dma_start3A_169, %dma_start3A_170] : memref<512x128xf32, #tpu.memory_space<vmem>> -> memref<128x128xf32, #tpu.memory_space<vmem>>
    %dma_start3A_172 = arith.constant 128 : i32
    %dma_start3A_173 = tpu.memref_slice %arg13[%dma_start3A_172] : memref<512xi32, #tpu.memory_space<vmem>> -> memref<128xi32, #tpu.memory_space<vmem>>
    %dma_start3A_174 = arith.constant 0 : i32
    %dma_start3A_175 = arith.constant 0 : i32
    %dma_start3A_176 = tpu.memref_slice %arg8[%dma_start3A_174, %dma_start3A_175] : memref<1584x128xf32, #tpu.memory_space<hbm>> -> memref<1584x128xf32, #tpu.memory_space<hbm>>
    tpu.enqueue_indirect_dma source(%dma_start3A_176 : memref<1584x128xf32, #tpu.memory_space<hbm>>) target(%dma_start3A_171 : memref<128x128xf32, #tpu.memory_space<vmem>>) offsets(%dma_start3A_173 : memref<128xi32, #tpu.memory_space<vmem>>) semaphore(%arg16 : memref<!tpu.dma_semaphore, #tpu.memory_space<semaphore_mem>>)
    %dma_start3A_177 = arith.constant 256 : i32
    %dma_start3A_178 = arith.constant 0 : i32
    %dma_start3A_179 = tpu.memref_slice %arg15[%dma_start3A_177, %dma_start3A_178] : memref<512x128xf32, #tpu.memory_space<vmem>> -> memref<128x128xf32, #tpu.memory_space<vmem>>
    %dma_start3A_180 = arith.constant 256 : i32
    %dma_start3A_181 = tpu.memref_slice %arg13[%dma_start3A_180] : memref<512xi32, #tpu.memory_space<vmem>> -> memref<128xi32, #tpu.memory_space<vmem>>
    %dma_start3A_182 = arith.constant 0 : i32
    %dma_start3A_183 = arith.constant 0 : i32
    %dma_start3A_184 = tpu.memref_slice %arg8[%dma_start3A_182, %dma_start3A_183] : memref<1584x128xf32, #tpu.memory_space<hbm>> -> memref<1584x128xf32, #tpu.memory_space<hbm>>
    tpu.enqueue_indirect_dma source(%dma_start3A_184 : memref<1584x128xf32, #tpu.memory_space<hbm>>) target(%dma_start3A_179 : memref<128x128xf32, #tpu.memory_space<vmem>>) offsets(%dma_start3A_181 : memref<128xi32, #tpu.memory_space<vmem>>) semaphore(%arg16 : memref<!tpu.dma_semaphore, #tpu.memory_space<semaphore_mem>>)
    %dma_start3A_185 = arith.constant 384 : i32
    %dma_start3A_186 = arith.constant 0 : i32
    %dma_start3A_187 = tpu.memref_slice %arg15[%dma_start3A_185, %dma_start3A_186] : memref<512x128xf32, #tpu.memory_space<vmem>> -> memref<128x128xf32, #tpu.memory_space<vmem>>
    %dma_start3A_188 = arith.constant 384 : i32
    %dma_start3A_189 = tpu.memref_slice %arg13[%dma_start3A_188] : memref<512xi32, #tpu.memory_space<vmem>> -> memref<128xi32, #tpu.memory_space<vmem>>
    %dma_start3A_190 = arith.constant 0 : i32
    %dma_start3A_191 = arith.constant 0 : i32
    %dma_start3A_192 = tpu.memref_slice %arg8[%dma_start3A_190, %dma_start3A_191] : memref<1584x128xf32, #tpu.memory_space<hbm>> -> memref<1584x128xf32, #tpu.memory_space<hbm>>
    tpu.enqueue_indirect_dma source(%dma_start3A_192 : memref<1584x128xf32, #tpu.memory_space<hbm>>) target(%dma_start3A_187 : memref<128x128xf32, #tpu.memory_space<vmem>>) offsets(%dma_start3A_189 : memref<128xi32, #tpu.memory_space<vmem>>) semaphore(%arg16 : memref<!tpu.dma_semaphore, #tpu.memory_space<semaphore_mem>>)
    %dma_wait3A_193 = arith.constant 0 : i32
    %dma_wait3A_194 = arith.constant 0 : i32
    %dma_wait3A_195 = tpu.memref_slice %arg15[%dma_wait3A_193, %dma_wait3A_194] : memref<512x128xf32, #tpu.memory_space<vmem>> -> memref<128x128xf32, #tpu.memory_space<vmem>>
    %dma_wait3A_196 = arith.constant 0 : i32
    %dma_wait3A_197 = tpu.memref_slice %arg13[%dma_wait3A_196] : memref<512xi32, #tpu.memory_space<vmem>> -> memref<128xi32, #tpu.memory_space<vmem>>
    %dma_wait3A_198 = arith.constant 0 : i32
    %dma_wait3A_199 = arith.constant 0 : i32
    %dma_wait3A_200 = tpu.memref_slice %arg8[%dma_wait3A_198, %dma_wait3A_199] : memref<1584x128xf32, #tpu.memory_space<hbm>> -> memref<1584x128xf32, #tpu.memory_space<hbm>>
    tpu.wait_indirect_dma semaphore(%arg16 : memref<!tpu.dma_semaphore, #tpu.memory_space<semaphore_mem>>) src(%dma_wait3A_200 : memref<1584x128xf32, #tpu.memory_space<hbm>>) dst(%dma_wait3A_195 : memref<128x128xf32, #tpu.memory_space<vmem>>)
    %dma_wait3A_201 = arith.constant 128 : i32
    %dma_wait3A_202 = arith.constant 0 : i32
    %dma_wait3A_203 = tpu.memref_slice %arg15[%dma_wait3A_201, %dma_wait3A_202] : memref<512x128xf32, #tpu.memory_space<vmem>> -> memref<128x128xf32, #tpu.memory_space<vmem>>
    %dma_wait3A_204 = arith.constant 128 : i32
    %dma_wait3A_205 = tpu.memref_slice %arg13[%dma_wait3A_204] : memref<512xi32, #tpu.memory_space<vmem>> -> memref<128xi32, #tpu.memory_space<vmem>>
    %dma_wait3A_206 = arith.constant 0 : i32
    %dma_wait3A_207 = arith.constant 0 : i32
    %dma_wait3A_208 = tpu.memref_slice %arg8[%dma_wait3A_206, %dma_wait3A_207] : memref<1584x128xf32, #tpu.memory_space<hbm>> -> memref<1584x128xf32, #tpu.memory_space<hbm>>
    tpu.wait_indirect_dma semaphore(%arg16 : memref<!tpu.dma_semaphore, #tpu.memory_space<semaphore_mem>>) src(%dma_wait3A_208 : memref<1584x128xf32, #tpu.memory_space<hbm>>) dst(%dma_wait3A_203 : memref<128x128xf32, #tpu.memory_space<vmem>>)
    %dma_wait3A_209 = arith.constant 256 : i32
    %dma_wait3A_210 = arith.constant 0 : i32
    %dma_wait3A_211 = tpu.memref_slice %arg15[%dma_wait3A_209, %dma_wait3A_210] : memref<512x128xf32, #tpu.memory_space<vmem>> -> memref<128x128xf32, #tpu.memory_space<vmem>>
    %dma_wait3A_212 = arith.constant 256 : i32
    %dma_wait3A_213 = tpu.memref_slice %arg13[%dma_wait3A_212] : memref<512xi32, #tpu.memory_space<vmem>> -> memref<128xi32, #tpu.memory_space<vmem>>
    %dma_wait3A_214 = arith.constant 0 : i32
    %dma_wait3A_215 = arith.constant 0 : i32
    %dma_wait3A_216 = tpu.memref_slice %arg8[%dma_wait3A_214, %dma_wait3A_215] : memref<1584x128xf32, #tpu.memory_space<hbm>> -> memref<1584x128xf32, #tpu.memory_space<hbm>>
    tpu.wait_indirect_dma semaphore(%arg16 : memref<!tpu.dma_semaphore, #tpu.memory_space<semaphore_mem>>) src(%dma_wait3A_216 : memref<1584x128xf32, #tpu.memory_space<hbm>>) dst(%dma_wait3A_211 : memref<128x128xf32, #tpu.memory_space<vmem>>)
    %dma_wait3A_217 = arith.constant 384 : i32
    %dma_wait3A_218 = arith.constant 0 : i32
    %dma_wait3A_219 = tpu.memref_slice %arg15[%dma_wait3A_217, %dma_wait3A_218] : memref<512x128xf32, #tpu.memory_space<vmem>> -> memref<128x128xf32, #tpu.memory_space<vmem>>
    %dma_wait3A_220 = arith.constant 384 : i32
    %dma_wait3A_221 = tpu.memref_slice %arg13[%dma_wait3A_220] : memref<512xi32, #tpu.memory_space<vmem>> -> memref<128xi32, #tpu.memory_space<vmem>>
    %dma_wait3A_222 = arith.constant 0 : i32
    %dma_wait3A_223 = arith.constant 0 : i32
    %dma_wait3A_224 = tpu.memref_slice %arg8[%dma_wait3A_222, %dma_wait3A_223] : memref<1584x128xf32, #tpu.memory_space<hbm>> -> memref<1584x128xf32, #tpu.memory_space<hbm>>
    tpu.wait_indirect_dma semaphore(%arg16 : memref<!tpu.dma_semaphore, #tpu.memory_space<semaphore_mem>>) src(%dma_wait3A_224 : memref<1584x128xf32, #tpu.memory_space<hbm>>) dst(%dma_wait3A_219 : memref<128x128xf32, #tpu.memory_space<vmem>>)
    %add3A_225 = arith.constant 0 : i32
    %add3A_226 = arith.addi %mul3A_2, %add3A_225 : i32
    "tpu.region"() ({
      %run_scoped3A = tpu.sem_alloc : memref<!tpu.dma_semaphore, #tpu.memory_space<semaphore_mem>>
      %dma_start3A_293 = arith.constant 0 : i32
      %dma_start3A_294 = tpu.memref_slice %arg10[%add3A_226, %dma_start3A_293] : memref<16384x128xf32, #tpu.memory_space<hbm>> -> memref<512x128xf32, #tpu.memory_space<hbm>>
      %dma_start3A_295 = arith.constant 0 : i32
      %dma_start3A_296 = tpu.memref_slice %arg10[%add3A_226, %dma_start3A_295] : memref<16384x128xf32, #tpu.memory_space<hbm>> -> memref<512x128xf32, #tpu.memory_space<hbm>>
      tpu.enqueue_dma source(%arg15 : memref<512x128xf32, #tpu.memory_space<vmem>>) target(%dma_start3A_296 : memref<512x128xf32, #tpu.memory_space<hbm>>) target_semaphore(%run_scoped3A : memref<!tpu.dma_semaphore, #tpu.memory_space<semaphore_mem>>)
      %dma_wait3A_297 = arith.constant 0 : i32
      %dma_wait3A_298 = tpu.memref_slice %arg10[%add3A_226, %dma_wait3A_297] : memref<16384x128xf32, #tpu.memory_space<hbm>> -> memref<512x128xf32, #tpu.memory_space<hbm>>
      %dma_wait3A_299 = arith.constant 0 : i32
      %dma_wait3A_300 = tpu.memref_slice %arg10[%add3A_226, %dma_wait3A_299] : memref<16384x128xf32, #tpu.memory_space<hbm>> -> memref<512x128xf32, #tpu.memory_space<hbm>>
      tpu.wait_dma2 semaphore(%run_scoped3A : memref<!tpu.dma_semaphore, #tpu.memory_space<semaphore_mem>>) src(%arg15 : memref<512x128xf32, #tpu.memory_space<vmem>>) dst(%dma_wait3A_300 : memref<512x128xf32, #tpu.memory_space<hbm>>)
      tpu.yield
    }) : () -> ()
    %dma_start3A_227 = arith.constant 0 : i32
    %dma_start3A_228 = arith.constant 0 : i32
    %dma_start3A_229 = tpu.memref_slice %arg15[%dma_start3A_227, %dma_start3A_228] : memref<512x128xf32, #tpu.memory_space<vmem>> -> memref<128x128xf32, #tpu.memory_space<vmem>>
    %dma_start3A_230 = arith.constant 0 : i32
    %dma_start3A_231 = tpu.memref_slice %arg14[%dma_start3A_230] : memref<512xi32, #tpu.memory_space<vmem>> -> memref<128xi32, #tpu.memory_space<vmem>>
    %dma_start3A_232 = arith.constant 0 : i32
    %dma_start3A_233 = arith.constant 0 : i32
    %dma_start3A_234 = tpu.memref_slice %arg9[%dma_start3A_232, %dma_start3A_233] : memref<672x128xf32, #tpu.memory_space<hbm>> -> memref<672x128xf32, #tpu.memory_space<hbm>>
    tpu.enqueue_indirect_dma source(%dma_start3A_234 : memref<672x128xf32, #tpu.memory_space<hbm>>) target(%dma_start3A_229 : memref<128x128xf32, #tpu.memory_space<vmem>>) offsets(%dma_start3A_231 : memref<128xi32, #tpu.memory_space<vmem>>) semaphore(%arg16 : memref<!tpu.dma_semaphore, #tpu.memory_space<semaphore_mem>>)
    %dma_start3A_235 = arith.constant 128 : i32
    %dma_start3A_236 = arith.constant 0 : i32
    %dma_start3A_237 = tpu.memref_slice %arg15[%dma_start3A_235, %dma_start3A_236] : memref<512x128xf32, #tpu.memory_space<vmem>> -> memref<128x128xf32, #tpu.memory_space<vmem>>
    %dma_start3A_238 = arith.constant 128 : i32
    %dma_start3A_239 = tpu.memref_slice %arg14[%dma_start3A_238] : memref<512xi32, #tpu.memory_space<vmem>> -> memref<128xi32, #tpu.memory_space<vmem>>
    %dma_start3A_240 = arith.constant 0 : i32
    %dma_start3A_241 = arith.constant 0 : i32
    %dma_start3A_242 = tpu.memref_slice %arg9[%dma_start3A_240, %dma_start3A_241] : memref<672x128xf32, #tpu.memory_space<hbm>> -> memref<672x128xf32, #tpu.memory_space<hbm>>
    tpu.enqueue_indirect_dma source(%dma_start3A_242 : memref<672x128xf32, #tpu.memory_space<hbm>>) target(%dma_start3A_237 : memref<128x128xf32, #tpu.memory_space<vmem>>) offsets(%dma_start3A_239 : memref<128xi32, #tpu.memory_space<vmem>>) semaphore(%arg16 : memref<!tpu.dma_semaphore, #tpu.memory_space<semaphore_mem>>)
    %dma_start3A_243 = arith.constant 256 : i32
    %dma_start3A_244 = arith.constant 0 : i32
    %dma_start3A_245 = tpu.memref_slice %arg15[%dma_start3A_243, %dma_start3A_244] : memref<512x128xf32, #tpu.memory_space<vmem>> -> memref<128x128xf32, #tpu.memory_space<vmem>>
    %dma_start3A_246 = arith.constant 256 : i32
    %dma_start3A_247 = tpu.memref_slice %arg14[%dma_start3A_246] : memref<512xi32, #tpu.memory_space<vmem>> -> memref<128xi32, #tpu.memory_space<vmem>>
    %dma_start3A_248 = arith.constant 0 : i32
    %dma_start3A_249 = arith.constant 0 : i32
    %dma_start3A_250 = tpu.memref_slice %arg9[%dma_start3A_248, %dma_start3A_249] : memref<672x128xf32, #tpu.memory_space<hbm>> -> memref<672x128xf32, #tpu.memory_space<hbm>>
    tpu.enqueue_indirect_dma source(%dma_start3A_250 : memref<672x128xf32, #tpu.memory_space<hbm>>) target(%dma_start3A_245 : memref<128x128xf32, #tpu.memory_space<vmem>>) offsets(%dma_start3A_247 : memref<128xi32, #tpu.memory_space<vmem>>) semaphore(%arg16 : memref<!tpu.dma_semaphore, #tpu.memory_space<semaphore_mem>>)
    %dma_start3A_251 = arith.constant 384 : i32
    %dma_start3A_252 = arith.constant 0 : i32
    %dma_start3A_253 = tpu.memref_slice %arg15[%dma_start3A_251, %dma_start3A_252] : memref<512x128xf32, #tpu.memory_space<vmem>> -> memref<128x128xf32, #tpu.memory_space<vmem>>
    %dma_start3A_254 = arith.constant 384 : i32
    %dma_start3A_255 = tpu.memref_slice %arg14[%dma_start3A_254] : memref<512xi32, #tpu.memory_space<vmem>> -> memref<128xi32, #tpu.memory_space<vmem>>
    %dma_start3A_256 = arith.constant 0 : i32
    %dma_start3A_257 = arith.constant 0 : i32
    %dma_start3A_258 = tpu.memref_slice %arg9[%dma_start3A_256, %dma_start3A_257] : memref<672x128xf32, #tpu.memory_space<hbm>> -> memref<672x128xf32, #tpu.memory_space<hbm>>
    tpu.enqueue_indirect_dma source(%dma_start3A_258 : memref<672x128xf32, #tpu.memory_space<hbm>>) target(%dma_start3A_253 : memref<128x128xf32, #tpu.memory_space<vmem>>) offsets(%dma_start3A_255 : memref<128xi32, #tpu.memory_space<vmem>>) semaphore(%arg16 : memref<!tpu.dma_semaphore, #tpu.memory_space<semaphore_mem>>)
    %dma_wait3A_259 = arith.constant 0 : i32
    %dma_wait3A_260 = arith.constant 0 : i32
    %dma_wait3A_261 = tpu.memref_slice %arg15[%dma_wait3A_259, %dma_wait3A_260] : memref<512x128xf32, #tpu.memory_space<vmem>> -> memref<128x128xf32, #tpu.memory_space<vmem>>
    %dma_wait3A_262 = arith.constant 0 : i32
    %dma_wait3A_263 = tpu.memref_slice %arg14[%dma_wait3A_262] : memref<512xi32, #tpu.memory_space<vmem>> -> memref<128xi32, #tpu.memory_space<vmem>>
    %dma_wait3A_264 = arith.constant 0 : i32
    %dma_wait3A_265 = arith.constant 0 : i32
    %dma_wait3A_266 = tpu.memref_slice %arg9[%dma_wait3A_264, %dma_wait3A_265] : memref<672x128xf32, #tpu.memory_space<hbm>> -> memref<672x128xf32, #tpu.memory_space<hbm>>
    tpu.wait_indirect_dma semaphore(%arg16 : memref<!tpu.dma_semaphore, #tpu.memory_space<semaphore_mem>>) src(%dma_wait3A_266 : memref<672x128xf32, #tpu.memory_space<hbm>>) dst(%dma_wait3A_261 : memref<128x128xf32, #tpu.memory_space<vmem>>)
    %dma_wait3A_267 = arith.constant 128 : i32
    %dma_wait3A_268 = arith.constant 0 : i32
    %dma_wait3A_269 = tpu.memref_slice %arg15[%dma_wait3A_267, %dma_wait3A_268] : memref<512x128xf32, #tpu.memory_space<vmem>> -> memref<128x128xf32, #tpu.memory_space<vmem>>
    %dma_wait3A_270 = arith.constant 128 : i32
    %dma_wait3A_271 = tpu.memref_slice %arg14[%dma_wait3A_270] : memref<512xi32, #tpu.memory_space<vmem>> -> memref<128xi32, #tpu.memory_space<vmem>>
    %dma_wait3A_272 = arith.constant 0 : i32
    %dma_wait3A_273 = arith.constant 0 : i32
    %dma_wait3A_274 = tpu.memref_slice %arg9[%dma_wait3A_272, %dma_wait3A_273] : memref<672x128xf32, #tpu.memory_space<hbm>> -> memref<672x128xf32, #tpu.memory_space<hbm>>
    tpu.wait_indirect_dma semaphore(%arg16 : memref<!tpu.dma_semaphore, #tpu.memory_space<semaphore_mem>>) src(%dma_wait3A_274 : memref<672x128xf32, #tpu.memory_space<hbm>>) dst(%dma_wait3A_269 : memref<128x128xf32, #tpu.memory_space<vmem>>)
    %dma_wait3A_275 = arith.constant 256 : i32
    %dma_wait3A_276 = arith.constant 0 : i32
    %dma_wait3A_277 = tpu.memref_slice %arg15[%dma_wait3A_275, %dma_wait3A_276] : memref<512x128xf32, #tpu.memory_space<vmem>> -> memref<128x128xf32, #tpu.memory_space<vmem>>
    %dma_wait3A_278 = arith.constant 256 : i32
    %dma_wait3A_279 = tpu.memref_slice %arg14[%dma_wait3A_278] : memref<512xi32, #tpu.memory_space<vmem>> -> memref<128xi32, #tpu.memory_space<vmem>>
    %dma_wait3A_280 = arith.constant 0 : i32
    %dma_wait3A_281 = arith.constant 0 : i32
    %dma_wait3A_282 = tpu.memref_slice %arg9[%dma_wait3A_280, %dma_wait3A_281] : memref<672x128xf32, #tpu.memory_space<hbm>> -> memref<672x128xf32, #tpu.memory_space<hbm>>
    tpu.wait_indirect_dma semaphore(%arg16 : memref<!tpu.dma_semaphore, #tpu.memory_space<semaphore_mem>>) src(%dma_wait3A_282 : memref<672x128xf32, #tpu.memory_space<hbm>>) dst(%dma_wait3A_277 : memref<128x128xf32, #tpu.memory_space<vmem>>)
    %dma_wait3A_283 = arith.constant 384 : i32
    %dma_wait3A_284 = arith.constant 0 : i32
    %dma_wait3A_285 = tpu.memref_slice %arg15[%dma_wait3A_283, %dma_wait3A_284] : memref<512x128xf32, #tpu.memory_space<vmem>> -> memref<128x128xf32, #tpu.memory_space<vmem>>
    %dma_wait3A_286 = arith.constant 384 : i32
    %dma_wait3A_287 = tpu.memref_slice %arg14[%dma_wait3A_286] : memref<512xi32, #tpu.memory_space<vmem>> -> memref<128xi32, #tpu.memory_space<vmem>>
    %dma_wait3A_288 = arith.constant 0 : i32
    %dma_wait3A_289 = arith.constant 0 : i32
    %dma_wait3A_290 = tpu.memref_slice %arg9[%dma_wait3A_288, %dma_wait3A_289] : memref<672x128xf32, #tpu.memory_space<hbm>> -> memref<672x128xf32, #tpu.memory_space<hbm>>
    tpu.wait_indirect_dma semaphore(%arg16 : memref<!tpu.dma_semaphore, #tpu.memory_space<semaphore_mem>>) src(%dma_wait3A_290 : memref<672x128xf32, #tpu.memory_space<hbm>>) dst(%dma_wait3A_285 : memref<128x128xf32, #tpu.memory_space<vmem>>)
    %add3A_291 = arith.constant 0 : i32
    %add3A_292 = arith.addi %mul3A_2, %add3A_291 : i32
    "tpu.region"() ({
      %run_scoped3A = tpu.sem_alloc : memref<!tpu.dma_semaphore, #tpu.memory_space<semaphore_mem>>
      %dma_start3A_293 = arith.constant 0 : i32
      %dma_start3A_294 = tpu.memref_slice %arg11[%add3A_292, %dma_start3A_293] : memref<16384x128xf32, #tpu.memory_space<hbm>> -> memref<512x128xf32, #tpu.memory_space<hbm>>
      %dma_start3A_295 = arith.constant 0 : i32
      %dma_start3A_296 = tpu.memref_slice %arg11[%add3A_292, %dma_start3A_295] : memref<16384x128xf32, #tpu.memory_space<hbm>> -> memref<512x128xf32, #tpu.memory_space<hbm>>
      tpu.enqueue_dma source(%arg15 : memref<512x128xf32, #tpu.memory_space<vmem>>) target(%dma_start3A_296 : memref<512x128xf32, #tpu.memory_space<hbm>>) target_semaphore(%run_scoped3A : memref<!tpu.dma_semaphore, #tpu.memory_space<semaphore_mem>>)
      %dma_wait3A_297 = arith.constant 0 : i32
      %dma_wait3A_298 = tpu.memref_slice %arg11[%add3A_292, %dma_wait3A_297] : memref<16384x128xf32, #tpu.memory_space<hbm>> -> memref<512x128xf32, #tpu.memory_space<hbm>>
      %dma_wait3A_299 = arith.constant 0 : i32
      %dma_wait3A_300 = tpu.memref_slice %arg11[%add3A_292, %dma_wait3A_299] : memref<16384x128xf32, #tpu.memory_space<hbm>> -> memref<512x128xf32, #tpu.memory_space<hbm>>
      tpu.wait_dma2 semaphore(%run_scoped3A : memref<!tpu.dma_semaphore, #tpu.memory_space<semaphore_mem>>) src(%arg15 : memref<512x128xf32, #tpu.memory_space<vmem>>) dst(%dma_wait3A_300 : memref<512x128xf32, #tpu.memory_space<hbm>>)
      tpu.yield
    }) : () -> ()
    return
  }
}

module attributes {stable_mosaic.version = 14 : i64} {
  func.func @_mlp_body(%arg0: i32, %arg1: memref<2048x128xf32, #tpu.memory_space<vmem>>, %arg2: memref<2048x128xf32, #tpu.memory_space<vmem>>, %arg3: memref<256x1000xbf16, #tpu.memory_space<vmem>>, %arg4: memref<1x1000xf32, #tpu.memory_space<vmem>>, %arg5: memref<1000x500xbf16, #tpu.memory_space<vmem>>, %arg6: memref<1x500xf32, #tpu.memory_space<vmem>>, %arg7: memref<500x100xbf16, #tpu.memory_space<vmem>>, %arg8: memref<1x100xf32, #tpu.memory_space<vmem>>, %arg9: memref<100x50xbf16, #tpu.memory_space<vmem>>, %arg10: memref<1x50xf32, #tpu.memory_space<vmem>>, %arg11: memref<50x1xbf16, #tpu.memory_space<vmem>>, %arg12: memref<1x1xf32, #tpu.memory_space<vmem>>, %arg13: memref<2048x1xf32, #tpu.memory_space<vmem>>) attributes {dimension_semantics = [#tpu.dimension_semantics<arbitrary>], iteration_bounds = array<i64: 8>, scalar_prefetch = 0 : i64, scratch_operands = 0 : i64, tpu.core_type = #tpu.core_type<tc>, window_params = [{transform_indices = @transform_0, window_bounds = array<i64: 2048, 128>}, {transform_indices = @transform_1, window_bounds = array<i64: 2048, 128>}, {pipeline_mode = #tpu.pipeline_mode<synchronous>, transform_indices = @transform_2, window_bounds = array<i64: 256, 1000>}, {pipeline_mode = #tpu.pipeline_mode<synchronous>, transform_indices = @transform_3, window_bounds = array<i64: 1, 1000>}, {pipeline_mode = #tpu.pipeline_mode<synchronous>, transform_indices = @transform_4, window_bounds = array<i64: 1000, 500>}, {pipeline_mode = #tpu.pipeline_mode<synchronous>, transform_indices = @transform_5, window_bounds = array<i64: 1, 500>}, {pipeline_mode = #tpu.pipeline_mode<synchronous>, transform_indices = @transform_6, window_bounds = array<i64: 500, 100>}, {pipeline_mode = #tpu.pipeline_mode<synchronous>, transform_indices = @transform_7, window_bounds = array<i64: 1, 100>}, {pipeline_mode = #tpu.pipeline_mode<synchronous>, transform_indices = @transform_8, window_bounds = array<i64: 100, 50>}, {pipeline_mode = #tpu.pipeline_mode<synchronous>, transform_indices = @transform_9, window_bounds = array<i64: 1, 50>}, {pipeline_mode = #tpu.pipeline_mode<synchronous>, transform_indices = @transform_10, window_bounds = array<i64: 50, 1>}, {pipeline_mode = #tpu.pipeline_mode<synchronous>, transform_indices = @transform_11, window_bounds = array<i64: 1, 1>}, {transform_indices = @transform_12, window_bounds = array<i64: 2048, 1>}]} {
    %get3A = arith.constant 0 : index
    %get3A_0 = arith.constant 0 : index
    %get3A_1 = vector.load %arg1[%get3A, %get3A_0] : memref<2048x128xf32, #tpu.memory_space<vmem>>, vector<2048x128xf32>
    %get3A_2 = arith.constant 0 : index
    %get3A_3 = arith.constant 0 : index
    %get3A_4 = vector.load %arg2[%get3A_2, %get3A_3] : memref<2048x128xf32, #tpu.memory_space<vmem>>, vector<2048x128xf32>
    %concatenate3A = tpu.concatenate %get3A_1, %get3A_4 in 1 : vector<2048x128xf32>, vector<2048x128xf32> -> vector<2048x256xf32>
    %convert_element_type3A = arith.truncf %concatenate3A : vector<2048x256xf32> to vector<2048x256xbf16>
    %get3A_5 = arith.constant 0 : index
    %get3A_6 = arith.constant 0 : index
    %get3A_7 = vector.load %arg3[%get3A_5, %get3A_6] : memref<256x1000xbf16, #tpu.memory_space<vmem>>, vector<256x1000xbf16>
    %dot_general3A = arith.constant dense<0.000000e+00> : vector<2048x1000xf32>
    %dot_general3A_8 = tpu.matmul %convert_element_type3A, %get3A_7, %dot_general3A {dimension_numbers = #tpu.dot_dimension_numbers<[1], [0], [0], [1], [0, 0, 1, 1], [], []>, transpose_lhs_hint = false} : vector<2048x256xbf16>, vector<256x1000xbf16>, vector<2048x1000xf32> -> vector<2048x1000xf32>
    %get3A_9 = arith.constant 0 : index
    %get3A_10 = arith.constant 0 : index
    %get3A_11 = vector.load %arg4[%get3A_9, %get3A_10] : memref<1x1000xf32, #tpu.memory_space<vmem>>, vector<1x1000xf32>
    %add3A = vector.broadcast %get3A_11 : vector<1x1000xf32> to vector<2048x1000xf32>
    %add3A_12 = arith.addf %dot_general3A_8, %add3A : vector<2048x1000xf32>
    %max3A = arith.constant 0.000000e+00 : f32
    %max3A_13 = vector.broadcast %max3A : f32 to vector<2048x1000xf32>
    %max3A_14 = arith.maximumf %add3A_12, %max3A_13 : vector<2048x1000xf32>
    %convert_element_type3A_15 = arith.truncf %max3A_14 : vector<2048x1000xf32> to vector<2048x1000xbf16>
    %get3A_16 = arith.constant 0 : index
    %get3A_17 = arith.constant 0 : index
    %get3A_18 = vector.load %arg5[%get3A_16, %get3A_17] : memref<1000x500xbf16, #tpu.memory_space<vmem>>, vector<1000x500xbf16>
    %dot_general3A_19 = arith.constant dense<0.000000e+00> : vector<2048x500xf32>
    %dot_general3A_20 = tpu.matmul %convert_element_type3A_15, %get3A_18, %dot_general3A_19 {dimension_numbers = #tpu.dot_dimension_numbers<[1], [0], [0], [1], [0, 0, 1, 1], [], []>, transpose_lhs_hint = false} : vector<2048x1000xbf16>, vector<1000x500xbf16>, vector<2048x500xf32> -> vector<2048x500xf32>
    %get3A_21 = arith.constant 0 : index
    %get3A_22 = arith.constant 0 : index
    %get3A_23 = vector.load %arg6[%get3A_21, %get3A_22] : memref<1x500xf32, #tpu.memory_space<vmem>>, vector<1x500xf32>
    %add3A_24 = vector.broadcast %get3A_23 : vector<1x500xf32> to vector<2048x500xf32>
    %add3A_25 = arith.addf %dot_general3A_20, %add3A_24 : vector<2048x500xf32>
    %max3A_26 = arith.constant 0.000000e+00 : f32
    %max3A_27 = vector.broadcast %max3A_26 : f32 to vector<2048x500xf32>
    %max3A_28 = arith.maximumf %add3A_25, %max3A_27 : vector<2048x500xf32>
    %convert_element_type3A_29 = arith.truncf %max3A_28 : vector<2048x500xf32> to vector<2048x500xbf16>
    %get3A_30 = arith.constant 0 : index
    %get3A_31 = arith.constant 0 : index
    %get3A_32 = vector.load %arg7[%get3A_30, %get3A_31] : memref<500x100xbf16, #tpu.memory_space<vmem>>, vector<500x100xbf16>
    %dot_general3A_33 = arith.constant dense<0.000000e+00> : vector<2048x100xf32>
    %dot_general3A_34 = tpu.matmul %convert_element_type3A_29, %get3A_32, %dot_general3A_33 {dimension_numbers = #tpu.dot_dimension_numbers<[1], [0], [0], [1], [0, 0, 1, 1], [], []>, transpose_lhs_hint = false} : vector<2048x500xbf16>, vector<500x100xbf16>, vector<2048x100xf32> -> vector<2048x100xf32>
    %get3A_35 = arith.constant 0 : index
    %get3A_36 = arith.constant 0 : index
    %get3A_37 = vector.load %arg8[%get3A_35, %get3A_36] : memref<1x100xf32, #tpu.memory_space<vmem>>, vector<1x100xf32>
    %add3A_38 = vector.broadcast %get3A_37 : vector<1x100xf32> to vector<2048x100xf32>
    %add3A_39 = arith.addf %dot_general3A_34, %add3A_38 : vector<2048x100xf32>
    %max3A_40 = arith.constant 0.000000e+00 : f32
    %max3A_41 = vector.broadcast %max3A_40 : f32 to vector<2048x100xf32>
    %max3A_42 = arith.maximumf %add3A_39, %max3A_41 : vector<2048x100xf32>
    %convert_element_type3A_43 = arith.truncf %max3A_42 : vector<2048x100xf32> to vector<2048x100xbf16>
    %get3A_44 = arith.constant 0 : index
    %get3A_45 = arith.constant 0 : index
    %get3A_46 = vector.load %arg9[%get3A_44, %get3A_45] : memref<100x50xbf16, #tpu.memory_space<vmem>>, vector<100x50xbf16>
    %dot_general3A_47 = arith.constant dense<0.000000e+00> : vector<2048x50xf32>
    %dot_general3A_48 = tpu.matmul %convert_element_type3A_43, %get3A_46, %dot_general3A_47 {dimension_numbers = #tpu.dot_dimension_numbers<[1], [0], [0], [1], [0, 0, 1, 1], [], []>, transpose_lhs_hint = false} : vector<2048x100xbf16>, vector<100x50xbf16>, vector<2048x50xf32> -> vector<2048x50xf32>
    %get3A_49 = arith.constant 0 : index
    %get3A_50 = arith.constant 0 : index
    %get3A_51 = vector.load %arg10[%get3A_49, %get3A_50] : memref<1x50xf32, #tpu.memory_space<vmem>>, vector<1x50xf32>
    %add3A_52 = vector.broadcast %get3A_51 : vector<1x50xf32> to vector<2048x50xf32>
    %add3A_53 = arith.addf %dot_general3A_48, %add3A_52 : vector<2048x50xf32>
    %max3A_54 = arith.constant 0.000000e+00 : f32
    %max3A_55 = vector.broadcast %max3A_54 : f32 to vector<2048x50xf32>
    %max3A_56 = arith.maximumf %add3A_53, %max3A_55 : vector<2048x50xf32>
    %convert_element_type3A_57 = arith.truncf %max3A_56 : vector<2048x50xf32> to vector<2048x50xbf16>
    %get3A_58 = arith.constant 0 : index
    %get3A_59 = arith.constant 0 : index
    %get3A_60 = vector.load %arg11[%get3A_58, %get3A_59] : memref<50x1xbf16, #tpu.memory_space<vmem>>, vector<50x1xbf16>
    %dot_general3A_61 = arith.constant dense<0.000000e+00> : vector<2048x1xf32>
    %dot_general3A_62 = tpu.matmul %convert_element_type3A_57, %get3A_60, %dot_general3A_61 {dimension_numbers = #tpu.dot_dimension_numbers<[1], [0], [0], [1], [0, 0, 1, 1], [], []>, transpose_lhs_hint = false} : vector<2048x50xbf16>, vector<50x1xbf16>, vector<2048x1xf32> -> vector<2048x1xf32>
    %get3A_63 = arith.constant 0 : index
    %get3A_64 = arith.constant 0 : index
    %get3A_65 = vector.load %arg12[%get3A_63, %get3A_64] : memref<1x1xf32, #tpu.memory_space<vmem>>, vector<1x1xf32>
    %add3A_66 = vector.broadcast %get3A_65 : vector<1x1xf32> to vector<2048x1xf32>
    %add3A_67 = arith.addf %dot_general3A_62, %add3A_66 : vector<2048x1xf32>
    %neg3A = arith.constant 0.000000e+00 : f32
    %neg3A_68 = vector.broadcast %neg3A : f32 to vector<2048x1xf32>
    %neg3A_69 = arith.subf %neg3A_68, %add3A_67 : vector<2048x1xf32>
    %exp3A = math.exp %neg3A_69 : vector<2048x1xf32>
    %add3A_70 = arith.constant 1.000000e+00 : f32
    %add3A_71 = vector.broadcast %add3A_70 : f32 to vector<2048x1xf32>
    %add3A_72 = arith.addf %add3A_71, %exp3A : vector<2048x1xf32>
    %div3A = arith.constant 1.000000e+00 : f32
    %div3A_73 = vector.broadcast %div3A : f32 to vector<2048x1xf32>
    %div3A_74 = arith.divf %div3A_73, %add3A_72 : vector<2048x1xf32>
    %swap3A = arith.constant 0 : index
    %swap3A_75 = arith.constant 0 : index
    %swap3A_76 = vector.load %arg13[%swap3A, %swap3A_75] : memref<2048x1xf32, #tpu.memory_space<vmem>>, vector<2048x1xf32>
    tpu.vector_store %arg13[%swap3A, %swap3A_75], %div3A_74 {strides = array<i32>} : memref<2048x1xf32, #tpu.memory_space<vmem>>, vector<2048x1xf32>,
    return
  }
  func.func @transform_0(%arg0: i32) -> (i32, i32) {
    %c0_i32 = arith.constant 0 : i32
    %c0_i32_0 = arith.constant 0 : i32
    return %arg0, %c0_i32 : i32, i32
  }
  func.func @transform_1(%arg0: i32) -> (i32, i32) {
    %c0_i32 = arith.constant 0 : i32
    %c0_i32_0 = arith.constant 0 : i32
    return %arg0, %c0_i32 : i32, i32
  }
  func.func @transform_2(%arg0: i32) -> (i32, i32) {
    %c0_i32 = arith.constant 0 : i32
    %c0_i32_0 = arith.constant 0 : i32
    %c0_i32_1 = arith.constant 0 : i32
    return %c0_i32, %c0_i32_0 : i32, i32
  }
  func.func @transform_3(%arg0: i32) -> (i32, i32) {
    %c0_i32 = arith.constant 0 : i32
    %c0_i32_0 = arith.constant 0 : i32
    %c0_i32_1 = arith.constant 0 : i32
    return %c0_i32, %c0_i32_0 : i32, i32
  }
  func.func @transform_4(%arg0: i32) -> (i32, i32) {
    %c0_i32 = arith.constant 0 : i32
    %c0_i32_0 = arith.constant 0 : i32
    %c0_i32_1 = arith.constant 0 : i32
    return %c0_i32, %c0_i32_0 : i32, i32
  }
  func.func @transform_5(%arg0: i32) -> (i32, i32) {
    %c0_i32 = arith.constant 0 : i32
    %c0_i32_0 = arith.constant 0 : i32
    %c0_i32_1 = arith.constant 0 : i32
    return %c0_i32, %c0_i32_0 : i32, i32
  }
  func.func @transform_6(%arg0: i32) -> (i32, i32) {
    %c0_i32 = arith.constant 0 : i32
    %c0_i32_0 = arith.constant 0 : i32
    %c0_i32_1 = arith.constant 0 : i32
    return %c0_i32, %c0_i32_0 : i32, i32
  }
  func.func @transform_7(%arg0: i32) -> (i32, i32) {
    %c0_i32 = arith.constant 0 : i32
    %c0_i32_0 = arith.constant 0 : i32
    %c0_i32_1 = arith.constant 0 : i32
    return %c0_i32, %c0_i32_0 : i32, i32
  }
  func.func @transform_8(%arg0: i32) -> (i32, i32) {
    %c0_i32 = arith.constant 0 : i32
    %c0_i32_0 = arith.constant 0 : i32
    %c0_i32_1 = arith.constant 0 : i32
    return %c0_i32, %c0_i32_0 : i32, i32
  }
  func.func @transform_9(%arg0: i32) -> (i32, i32) {
    %c0_i32 = arith.constant 0 : i32
    %c0_i32_0 = arith.constant 0 : i32
    %c0_i32_1 = arith.constant 0 : i32
    return %c0_i32, %c0_i32_0 : i32, i32
  }
  func.func @transform_10(%arg0: i32) -> (i32, i32) {
    %c0_i32 = arith.constant 0 : i32
    %c0_i32_0 = arith.constant 0 : i32
    %c0_i32_1 = arith.constant 0 : i32
    return %c0_i32, %c0_i32_0 : i32, i32
  }
  func.func @transform_11(%arg0: i32) -> (i32, i32) {
    %c0_i32 = arith.constant 0 : i32
    %c0_i32_0 = arith.constant 0 : i32
    %c0_i32_1 = arith.constant 0 : i32
    return %c0_i32, %c0_i32_0 : i32, i32
  }
  func.func @transform_12(%arg0: i32) -> (i32, i32) {
    %c0_i32 = arith.constant 0 : i32
    %c0_i32_0 = arith.constant 0 : i32
    return %arg0, %c0_i32 : i32, i32
  }
}

</mosaic_0001>

<sc_bundles>
// kernel: kernel.4.cloned.1.call-start
scs
__scs_entry_jumppad:
0x0: {  	(pc) =	sbr.rel $0x88, $3  }
0x1: {  	(tag) =	ssettag $0x0;
	lr =	simm.s32 $0x1  }
0x2: {  	[smem:$0x3F8B] =	sst lr;
	_ =	strace $0xD0000000  }
0x3: {  	_ = 	snop  }
0x4: {  	_ = 	snop  }
0x5: {  	_ = 	snop  }
0x6: {  	_ = 	snop  }
0x7: {  	_ = 	snop  }
__scs_overlays_trampoline_lowered:
0x8: {  	[smem:$0x3F9A] =	sst s0  }
0x9: {  	[smem:$0x3F9B] =	sst s1  }
0xa: {  	[smem:$0x3F9C] =	sst s2  }
0xb: {  	[smem:$0x3F9D] =	sst s3  }
0xc: {  	[smem:$0x3F9E] =	sst s4  }
0xd: {  	[smem:$0x3F9F] =	sst s5  }
0xe: {  	[smem:$0x3FA0] =	sst s6  }
0xf: {  	[smem:$0x3FA1] =	sst s7  }
0x10: {  	[smem:$0x3FA2] =	sst s8  }
0x11: {  	[smem:$0x3FA3] =	sst s9;
	s0 =	simm.s32 @!p0 $0x0  }
0x12: {  	s1 =	sld [smem:$0x3F89];
	s0 =	simm.s32 @p0 $0x1  }
0x13: {  	[smem:$0x3FA4] =	sst s0;
	s0 =	simm.s32 @!p1 $0x0  }
0x14: {  	s2 =	sld [smem:$0x3F88];
	s0 =	simm.s32 @p1 $0x1  }
0x15: {  	[smem:$0x3FA5] =	sst s0;
	s0 =	simm.s32 @!p2 $0x0  }
0x16: {  	s3 =	sld [smem:$0x3FDB];
	s0 =	simm.s32 @p2 $0x1  }
0x17: {  	s4 =	simm.s32 $0x1BF5;
	[smem:$0x3FA7] =	sst s0  }
0x18: {  	s0 =	sld [smem:$0x3F8A];
	_ =	swait.ge [sflag:s4], $0x0  }
0x19: {  	s7 =	sld [smem:$0x3F8B]  }
0x1a: {  	s8 =	sadd.s32 $0xFFFFE003, lr  }
0x1b: {  	s9 =	sadd.s32 $0xFFFFFEF7, lr;
	s5 =	simm.s32 $0xFFFFFFFF;
	p2 =	slt.u32 s8, $0xFFFFF086  }
0x1c: {  	p1 =	slt.u32 s9, $0xF7A;
	s5 =	simm.s32 @!p2 $0x0  }
0x1d: {  	s5 =	simm.s32 @p1 $0x1;
	p0 =	seq.s32 s7, s2  }
0x1e: {  	s7 =	smul.u32 @!p0 $0xF7A, s2;
	p2 =	seq.s32 @!p0 s5, $0x0  }
0x1f: {  	s9 =	smul.u32 $0xF7A, s1;
	s8 =	simm.s32 @!p0 $0x1BF5;
	p2 =	por !p2, p0  }
0x20: {  	[sflag:s8] =	ssyncset.s32 @!p0 $0xFFFFF086;
	s6 =	sadd.s32 @!p0 s3, s7;
	s7 =	simm.s32 @!p0 $0x108  }
0x21: {  	s3 =	sadd.s32 s3, s9;
	s6 =	sadd.s32 @!p0 $0x88, s6;
	s7 =	simm.s32 @p2 $0x1082  }
0x22: {  	[simem:s7], [sflag:s8] =	dma.local @!p0 [hbm:s6], $0xF7A  }
0x23: {  	s9 =	sor.u32 $0xD0000000, s2;
	s6 =	simm.s32 $0x108;
	_ =	swait.ge @!p0 [sflag:s8], $0x0  }
0x24: {  	s3 =	sadd.s32 $0x88, s3;
	s6 =	simm.s32 @!p1 $0x1082;
	[sflag:s4] =	ssyncset.s32 $0xFFFFF086  }
0x25: {  	[simem:s6], [sflag:s4] =	dma.local [hbm:s3], $0xF7A  }
0x26: {  	[smem:$0x3F8B] =	sst s1;
	(tag) =	ssettag s2;
	_ =	strace s9  }
0x27: {  	s1 =	sld [smem:$0x3F9B]  }
0x28: {  	s2 =	sld [smem:$0x3F9C]  }
0x29: {  	s4 =	sld [smem:$0x3F9E]  }
0x2a: {  	p0 =	seq.s32 s5, $0x0;
	s5 =	sld [smem:$0x3F9F]  }
0x2b: {  	s6 =	sld [smem:$0x3FA0]  }
0x2c: {  	s7 =	sld [smem:$0x3FA1]  }
0x2d: {  	s3 =	simm.s32 $0x108;
	s8 =	sld [smem:$0x3FA2]  }
0x2e: {  	s3 =	simm.s32 @!p0 $0x1082;
	s9 =	sld [smem:$0x3FA3]  }
0x2f: {  	lr =	sadd.s32 s0, s3;
	s0 =	sld [smem:$0x3F9A]  }
0x30: {  	s3 =	sld [smem:$0x3F9D]  }
0x31: {  	[smem:$0x3FA6] =	sst s10  }
0x32: {  	s10 =	sld [smem:$0x3FA4];
	_ =	sdelay $0x3  }
0x33: {  	p0 =	seq.s32 s10, $0x1;
	s10 =	sld [smem:$0x3FA6];
	_ =	sdelay $0x3  }
0x34: {  	[smem:$0x3FA6] =	sst s10  }
0x35: {  	s10 =	sld [smem:$0x3FA5];
	_ =	sdelay $0x3  }
0x36: {  	p1 =	seq.s32 s10, $0x1;
	s10 =	sld [smem:$0x3FA6];
	_ =	sdelay $0x3  }
0x37: {  	[smem:$0x3FA6] =	sst s10  }
0x38: {  	s10 =	sld [smem:$0x3FA7]  }
0x39: {  	_ = 	snop;
	(pc) =	sbr.ind lr, $3  }
0x3a: {  	_ = 	snop  }
0x3b: {  	_ = 	snop  }
0x3c: {  	p2 =	seq.s32 s10, $0x1;
	s10 =	sld [smem:$0x3FA6]  }
0x3d: {  	_ =	shalt  }
0x3e: {  	_ =	shalt  }
0x3f: {  	_ =	shalt  }
0x40: {  	_ =	shalt  }
0x41: {  	_ =	shalt  }
0x42: {  	_ =	shalt  }
0x43: {  	_ =	shalt  }
0x44: {  	_ =	shalt  }
0x45: {  	_ =	shalt  }
0x46: {  	_ =	shalt  }
0x47: {  	_ =	shalt  }
0x48: {  	_ =	shalt  }
0x49: {  	_ =	shalt  }
0x4a: {  	_ =	shalt  }
0x4b: {  	_ =	shalt  }
0x4c: {  	_ =	shalt  }
0x4d: {  	_ =	shalt  }
0x4e: {  	_ =	shalt  }
0x4f: {  	_ =	shalt  }
0x50: {  	_ =	shalt  }
0x51: {  	_ =	shalt  }
0x52: {  	_ =	shalt  }
0x53: {  	_ =	shalt  }
0x54: {  	_ =	shalt  }
0x55: {  	_ =	shalt  }
0x56: {  	_ =	shalt  }
0x57: {  	_ =	shalt  }
0x58: {  	_ =	shalt  }
0x59: {  	_ =	shalt  }
0x5a: {  	_ =	shalt  }
0x5b: {  	_ =	shalt  }
0x5c: {  	_ =	shalt  }
0x5d: {  	_ =	shalt  }
0x5e: {  	_ =	shalt  }
0x5f: {  	_ =	shalt  }
0x60: {  	_ =	shalt  }
0x61: {  	_ =	shalt  }
0x62: {  	_ =	shalt  }
0x63: {  	_ =	shalt  }
0x64: {  	_ =	shalt  }
0x65: {  	_ =	shalt  }
0x66: {  	_ =	shalt  }
0x67: {  	_ =	shalt  }
0x68: {  	_ =	shalt  }
0x69: {  	_ =	shalt  }
0x6a: {  	_ =	shalt  }
0x6b: {  	_ =	shalt  }
0x6c: {  	_ =	shalt  }
0x6d: {  	_ =	shalt  }
0x6e: {  	_ =	shalt  }
0x6f: {  	_ =	shalt  }
0x70: {  	_ =	shalt  }
0x71: {  	_ =	shalt  }
0x72: {  	_ =	shalt  }
0x73: {  	_ =	shalt  }
0x74: {  	_ =	shalt  }
0x75: {  	_ =	shalt  }
0x76: {  	_ =	shalt  }
0x77: {  	_ =	shalt  }
0x78: {  	_ =	shalt  }
0x79: {  	_ =	shalt  }
0x7a: {  	_ =	shalt  }
0x7b: {  	_ =	shalt  }
0x7c: {  	_ =	shalt  }
0x7d: {  	_ =	shalt  }
0x7e: {  	_ =	shalt  }
0x7f: {  	_ =	shalt  }
0x80: {  	_ =	shalt  }
0x81: {  	_ =	shalt  }
0x82: {  	_ =	shalt  }
0x83: {  	_ =	shalt  }
0x84: {  	_ =	shalt  }
0x85: {  	_ =	shalt  }
0x86: {  	_ =	shalt  }
0x87: {  	_ =	shalt  }
.Lfunc_end0:
.L_simem_size_0:
called_computation_lowered:
.L_overlay_start_0:
0x88: {  	s2 =	sld [smem:$0x3FD9]  }
0x89: {  	s3 =	sld [smem:$0x3FFE];
	_ =	sdelay $0x1  }
0x8a: {  	s1 =	srdreg.scid  }
0x8b: {  	s0 =	sand.u32 $0x1, s1  }
0x8c: {  	s17 =	sshll.u32 s0, $0xA;
	s2 =	sadd.s32 s3, s2  }
0x8d: {  	s2 =	sadd.s32 s2, s17  }
0x8e: {  	[smem:$0x3FB2] =	sst s2  }
0x8f: {  	_ = 	snop  }
0x90: {  	s2 =	sld [smem:$0x3FD0];
	(tm) =	ssettm $0x1  }
0x91: {  	s18 =	sld [smem:$0x3FFB];
	_ =	sdelay $0x3  }
0x92: {  	_ =	strace s18  }
0x93: {  	s3 =	sld [smem:$0x3FFC];
	_ =	sdelay $0x3  }
0x94: {  	_ =	strace s3  }
0x95: {  	s3 =	sld [smem:$0x3FFD];
	_ =	sdelay $0x3  }
0x96: {  	_ =	strace s3  }
0x97: {  	_ =	strace $0x8FFFFFFF  }
0x98: {  	s19 =	sld [smem:$0x3FDB];
	_ =	sdelay $0x1  }
0x99: {  	s4 =	simm.s32 $_scs_section_size  }
0x9a: {  	s5 =	simm.s32 $_size__tile_overlayer_lowered;
	s6 =	simm.s32 $_tile_overlayer_lowered  }
0x9b: {  	s22 =	simm.s32 $0x1BFF;
	s21 =	sshll.u32 s6, $0x1;
	s3 =	sadd.s32 s4, s19  }
0x9c: {  	s7 =	simm.s32 $0x0;
	s20 =	sshll.u32 s5, $0x1;
	s5 =	sadd.s32 s21, s3  }
0x9d: {  	[timem:s7], [sflag:s22] =	dma.local [hbm:s5], s20  }
0x9e: {  	_ =	swait.ge [sflag:s22], s20  }
0x9f: {  	s4 =	ssub.s32 $0x0, s20;
	[sflag:s22] =	ssyncset.done $0x0  }
0xa0: {  	[sflag:s22] =	ssyncadd.s32 s4;
	_ =	sdelay $0x1  }
0xa1: {  	s23 =	simm.s32 $0x1B8B  }
0xa2: {  	_ =	swait.ge [sflag:s23], $0x1  }
0xa3: {  	[sflag:s23] =	ssyncset.done $0x0  }
0xa4: {  	s25 =	simm.s32 $0x1B8E;
	s24 =	sld [smem:$0x3FFE];
	[sflag:s23] =	ssyncadd.s32 $0xFFFFFFFF  }
0xa5: {  	s26 =	simm.s32 $execute0_lowered;
	[smem:$0x3FD2] =	sst s25  }
0xa6: {  	s5 =	sshll.u32 s26, $0x1;
	_ =	strace $0x80000046;
	[dreg:$0x1] =	wrdreg $0xFFFFFFFF  }
0xa7: {  	s28 =	simm.s32 $_size_execute0_lowered;
	s3 =	sadd.s32 s3, s5;
	[dreg:$0x0] =	wrdreg $0x0  }
0xa8: {  	s5 =	sshll.u32 s28, $0x1;
	[dreg:$0x2] =	wrdreg s3  }
0xa9: {  	[dreg:$0x3] =	wrdreg s5  }
0xaa: {  	[dreg:$0x4] =	wrdreg $0xC0  }
0xab: {  	_ =	task [dreg:s7], $0x5FFFF  }
0xac: {  	[dreg:$0x1] =	wrdreg $0xFFFFFFFF  }
0xad: {  	[dreg:$0x0] =	wrdreg $0x60  }
0xae: {  	[dreg:$0x2] =	wrdreg s2  }
0xaf: {  	[dreg:$0x3] =	wrdreg s24  }
0xb0: {  	[dreg:$0x4] =	wrdreg $0x9  }
0xb1: {  	_ =	task.clear_ibuf [dreg:s7], $0x5FFFF;
	_ =	strace $0x90000046  }
0xb2: {  	s29 =	simm.s32 $0x9;
	_ =	strace $0x80000048  }
0xb3: {  	_ =	swait.ge [sflag:s29], $0x1  }
0xb4: {  	[sflag:s29] =	ssyncadd.s32 $0xFFFFFFFF  }
0xb5: {  	_ =	strace $0x90000048  }
0xb6: {  	_ =	sfence  }
0xb7: {  	s30 =	sld [smem:$0x0];
	_ =	sdelay $0x2  }
0xb8: {  	s31 =	sshll.u32 s1, $0xD;
	s1 =	sshrl.u32 s1, $0x2  }
0xb9: {  	s3 =	sand.u32 $0x4000, s31;
	s1 =	sadd.s32 s1, s30  }
0xba: {  	s0 =	sor.u32 s3, s0;
	s1 =	sshll.u32 s1, $0x11  }
0xbb: {  	s0 =	sor.u32 s1, s0  }
0xbc: {  	s0 =	sadd.s32 $0x8F2B, s0  }
0xbd: {  	[sflag:s0] =	ssyncadd.remote.s32 $0x1  }
0xbe: {  	_ =	sfence.sel $0xFFFF  }
0xbf: {  	[dreg:$0x0] =	wrdreg $0xFFFFFFFF;
	(pc) =	sbr.abs _section_cstart, $3  }
0xc0: {  	[dreg:$0x1] =	wrdreg $0xFFFFFFFF  }
0xc1: {  	_ =	task.clear_ibuf [dreg:s7], $0x2FFFF;
	_ =	strace $0x9FFFFFFF  }
0xc2: {  	(tm) =	ssettm $0x7FFFFFFF  }
0xc3: {  	_ =	shalt  }
tec
execute0_lowered:
.L_overlay_start_1:
0x0: {  	(tag) =	ssettag $0x1  }
0x1: {  	s0 =	srdreg.scid;
	s5 =	rddreg [dreg:$0x0]  }
0x2: {  	s2 =	stileid.u32;
	s6 =	rddreg [dreg:$0x1];
	s9 =	simm.s32 $0x5400  }
0x3: {  	s10 =	simm.s32 $0x9400;
	s11 =	simm.s32 $0xD400;
	s0 =	sand.u32 $0x1, s0  }
0x4: {  	s1 =	sshll.u32 s2, $0x1;
	s3 =	sshll.u32 s2, $0x7;
	s2 =	simm.s32 $0x0  }
0x5: {  	s12 =	simm.s32 $0x2;
	s1 =	sor.u32 s0, s1;
	[smem:$0x7FF] =	sst s2  }
0x6: {  	s0 =	ssub.s32 $0x2, s0;
	s4 =	sshll.u32 s1, $0x4;
	s1 =	sshll.u32 s1, $0xD  }
0x7: {  	_ =	strace $0x80000047;
	s13 =	sshrl.u32 s0, $0x1;
	s1 =	sadd.s32 s1, s6  }
0x8: {  	s3 =	sor.u32 s3, s4;
	s0 =	ssub.s32 s0, s13;
	s19 =	sadd.s32 $0xB800, s1  }
0x9: {  	s7 =	sand.u32 $0x670, s3;
	s1 =	sadd.s32 $0x4B800, s1;
	[dreg:$0x8] =	wrdreg s19  }
0xa: {  	s0 =	smax.u32 s0, $0x1;
	s8 =	sadd.s32 s7, s6;
	[dreg:$0x9] =	wrdreg s1  }
0xb: {  	s4 =	sadd.s32 $0x2A00, s6;
	[dreg:$0xa] =	wrdreg s0;
	s14 =	sadd.s32 $0x200, s8  }
0xc: {  	s13 =	simm.s32 $0x1200;
	s15 =	sadd.s32 $0xA00, s8;
	[dreg:$0x3] =	wrdreg s14  }
0xd: {  	s3 =	sadd.s32 $0x5400, s6;
	s16 =	sadd.s32 $0x1200, s8;
	[dreg:$0x4] =	wrdreg s15  }
0xe: {  	s5 =	sadd.s32 s5, s7;
	s17 =	sadd.s32 $0x1A00, s8;
	[dreg:$0x5] =	wrdreg s16  }
0xf: {  	s0 =	simm.s32 $0x80;
	s18 =	sadd.s32 $0x2200, s8;
	[dreg:$0x6] =	wrdreg s17  }
0x10: {  	s6 =	simm.s32 $0x1;
	s20 =	sadd.s32 $0x280, s8;
	[dreg:$0x7] =	wrdreg s18  }
0x11: {  	s7 =	simm.s32 $0x1000;
	s21 =	sadd.s32 $0x300, s8;
	[dreg:$0xb] =	wrdreg s20  }
0x12: {  	s22 =	sadd.s32 $0x380, s8;
	s23 =	sadd.s32 $0xA80, s8;
	[dreg:$0xc] =	wrdreg s21  }
0x13: {  	s24 =	sadd.s32 $0xB00, s8;
	s25 =	sadd.s32 $0xB80, s8;
	[dreg:$0xd] =	wrdreg s22  }
0x14: {  	s26 =	sadd.s32 $0x1280, s8;
	s28 =	sadd.s32 $0x2300, s8;
	[dreg:$0xe] =	wrdreg s23  }
0x15: {  	s29 =	sadd.s32 $0x2380, s8;
	s30 =	sadd.s32 $0x80, s5;
	[dreg:$0xf] =	wrdreg s24  }
0x16: {  	s31 =	sadd.s32 $0x100, s5;
	s1 =	sadd.s32 $0x180, s5;
	[dreg:$0x10] =	wrdreg s25  }
0x17: {  	[dreg:$0x11] =	wrdreg s26;
	s21 =	sadd.s32 $0x1300, s8;
	s22 =	sadd.s32 $0x1380, s8  }
0x18: {  	s23 =	sadd.s32 $0x1A80, s8;
	s24 =	sadd.s32 $0x1B00, s8;
	s25 =	sadd.s32 $0x1B80, s8  }
0x19: {  	s26 =	sadd.s32 $0x2280, s8;
	s8 =	simm.s32 $0x1400;
	s14 =	simm.s32 $0x0  }
.LBB2_1:
0x1a: {  	[tilespmem:s2], [sflag:$0x1] =	stream.linear.gather [hbm4b:s5+s2], $0x80, $0x38;
	[tilespmem:$0x11400] =	vst v63  }
0x1b: {  	s15 =	simm.s32 $0x400  }
0x1c: {  	[tilespmem:s15], [sflag:$0x1] =	stream.linear.gather [hbm4b:s30+s2], $0x80, $0x38;
	[tilespmem:$0x11400] =	vst v63  }
0x1d: {  	s17 =	simm.s32 $0x800  }
0x1e: {  	[tilespmem:s17], [sflag:$0x1] =	stream.linear.gather [hbm4b:s31+s2], $0x80, $0x38;
	[tilespmem:$0x11400] =	vst v63  }
0x1f: {  	s18 =	simm.s32 $0xC00  }
0x20: {  	[tilespmem:s18], [sflag:$0x1] =	stream.linear.gather [hbm4b:s1+s2], $0x80, $0x38;
	[tilespmem:$0x11400] =	vst v63  }
0x21: {  	s19 =	rddreg [dreg:$0x3]  }
0x22: {  	[tilespmem:s0], [sflag:$0x1] =	stream.linear.gather [hbm4b:s19+s2], $0x80, $0x38;
	[tilespmem:$0x11400] =	vst v63  }
0x23: {  	s20 =	rddreg [dreg:$0xb];
	s16 =	simm.s32 $0x480  }
0x24: {  	[tilespmem:s16], [sflag:$0x1] =	stream.linear.gather [hbm4b:s20+s2], $0x80, $0x38;
	[tilespmem:$0x11400] =	vst v63  }
0x25: {  	s17 =	rddreg [dreg:$0xc];
	s18 =	simm.s32 $0x880  }
0x26: {  	[tilespmem:s18], [sflag:$0x1] =	stream.linear.gather [hbm4b:s17+s2], $0x80, $0x38;
	[tilespmem:$0x11400] =	vst v63  }
0x27: {  	s19 =	rddreg [dreg:$0xd];
	s20 =	simm.s32 $0xC80  }
0x28: {  	[tilespmem:s20], [sflag:$0x1] =	stream.linear.gather [hbm4b:s19+s2], $0x80, $0x38;
	[tilespmem:$0x11400] =	vst v63  }
0x29: {  	s17 =	rddreg [dreg:$0x4];
	s18 =	simm.s32 $0x100  }
0x2a: {  	[tilespmem:s18], [sflag:$0x1] =	stream.linear.gather [hbm4b:s17+s2], $0x80, $0x38;
	[tilespmem:$0x11400] =	vst v63  }
0x2b: {  	s19 =	rddreg [dreg:$0xe];
	s20 =	simm.s32 $0x500  }
0x2c: {  	[tilespmem:s20], [sflag:$0x1] =	stream.linear.gather [hbm4b:s19+s2], $0x80, $0x38;
	[tilespmem:$0x11400] =	vst v63  }
0x2d: {  	s17 =	rddreg [dreg:$0xf];
	s18 =	simm.s32 $0x900  }
0x2e: {  	[tilespmem:s18], [sflag:$0x1] =	stream.linear.gather [hbm4b:s17+s2], $0x80, $0x38;
	[tilespmem:$0x11400] =	vst v63  }
0x2f: {  	s19 =	rddreg [dreg:$0x10];
	s20 =	simm.s32 $0xD00  }
0x30: {  	[tilespmem:s20], [sflag:$0x1] =	stream.linear.gather [hbm4b:s19+s2], $0x80, $0x38;
	[tilespmem:$0x11400] =	vst v63  }
0x31: {  	s16 =	rddreg [dreg:$0x5];
	s17 =	simm.s32 $0x180  }
0x32: {  	[tilespmem:s17], [sflag:$0x1] =	stream.linear.gather [hbm4b:s16+s2], $0x80, $0x38;
	[tilespmem:$0x11400] =	vst v63  }
0x33: {  	s18 =	rddreg [dreg:$0x11];
	s19 =	simm.s32 $0x580  }
0x34: {  	[tilespmem:s19], [sflag:$0x1] =	stream.linear.gather [hbm4b:s18+s2], $0x80, $0x38;
	[tilespmem:$0x11400] =	vst v63  }
0x35: {  	s20 =	simm.s32 $0x980  }
0x36: {  	[tilespmem:s20], [sflag:$0x1] =	stream.linear.gather [hbm4b:s21+s2], $0x80, $0x38;
	[tilespmem:$0x11400] =	vst v63  }
0x37: {  	s16 =	simm.s32 $0xD80  }
0x38: {  	[tilespmem:s16], [sflag:$0x1] =	stream.linear.gather [hbm4b:s22+s2], $0x80, $0x38;
	[tilespmem:$0x11400] =	vst v63  }
0x39: {  	s17 =	rddreg [dreg:$0x6];
	s18 =	simm.s32 $0x200  }
0x3a: {  	[tilespmem:s18], [sflag:$0x1] =	stream.linear.gather [hbm4b:s17+s2], $0x80, $0x38;
	[tilespmem:$0x11400] =	vst v63  }
0x3b: {  	s19 =	simm.s32 $0x600  }
0x3c: {  	[tilespmem:s19], [sflag:$0x1] =	stream.linear.gather [hbm4b:s23+s2], $0x80, $0x38;
	[tilespmem:$0x11400] =	vst v63  }
0x3d: {  	s20 =	simm.s32 $0xA00  }
0x3e: {  	[tilespmem:s20], [sflag:$0x1] =	stream.linear.gather [hbm4b:s24+s2], $0x80, $0x38;
	[tilespmem:$0x11400] =	vst v63  }
0x3f: {  	s16 =	simm.s32 $0xE00  }
0x40: {  	[tilespmem:s16], [sflag:$0x1] =	stream.linear.gather [hbm4b:s25+s2], $0x80, $0x38;
	[tilespmem:$0x11400] =	vst v63  }
0x41: {  	s17 =	rddreg [dreg:$0x7];
	s18 =	simm.s32 $0x280  }
0x42: {  	[tilespmem:s18], [sflag:$0x1] =	stream.linear.gather [hbm4b:s17+s2], $0x80, $0x38;
	[tilespmem:$0x11400] =	vst v63  }
0x43: {  	s19 =	simm.s32 $0x680  }
0x44: {  	[tilespmem:s19], [sflag:$0x1] =	stream.linear.gather [hbm4b:s26+s2], $0x80, $0x38;
	[tilespmem:$0x11400] =	vst v63  }
0x45: {  	s20 =	simm.s32 $0xA80  }
0x46: {  	[tilespmem:s20], [sflag:$0x1] =	stream.linear.gather [hbm4b:s28+s2], $0x80, $0x38;
	[tilespmem:$0x11400] =	vst v63  }
0x47: {  	s16 =	simm.s32 $0xE80  }
0x48: {  	[tilespmem:s16], [sflag:$0x1] =	stream.linear.gather [hbm4b:s29+s2], $0x80, $0x38;
	[tilespmem:$0x11400] =	vst v63  }
0x49: {  	_ =	swait.ge [sflag:s6], $0x200  }
0x4a: {  	[sflag:s6] =	ssyncset.done $0x0  }
0x4b: {  	[sflag:s6] =	ssyncadd.s32 $0xFFFFFE00  }
0x4c: {  	_ =	swait.ge [sflag:s6], $0x200  }
0x4d: {  	[sflag:s6] =	ssyncset.done $0x0  }
0x4e: {  	[sflag:s6] =	ssyncadd.s32 $0xFFFFFE00  }
0x4f: {  	_ =	swait.ge [sflag:s6], $0x200  }
0x50: {  	[sflag:s6] =	ssyncset.done $0x0  }
0x51: {  	[sflag:s6] =	ssyncadd.s32 $0xFFFFFE00  }
0x52: {  	_ =	swait.ge [sflag:s6], $0x200  }
0x53: {  	[sflag:s6] =	ssyncset.done $0x0  }
0x54: {  	[sflag:s6] =	ssyncadd.s32 $0xFFFFFE00  }
0x55: {  	_ =	swait.ge [sflag:s6], $0x200  }
0x56: {  	[sflag:s6] =	ssyncset.done $0x0  }
0x57: {  	[sflag:s6] =	ssyncadd.s32 $0xFFFFFE00  }
0x58: {  	_ =	swait.ge [sflag:s6], $0x200  }
0x59: {  	s17 =	sand.u32 $0x70, s2;
	s18 =	sand.u32 $0xC00, s2;
	[sflag:s6] =	ssyncset.done $0x0  }
0x5a: {  	s15 =	sor.u32 s17, s18;
	[sflag:s6] =	ssyncadd.s32 $0xFFFFFE00  }
0x5b: {  	v0 =	vld [tilespmem:s15+$0x0]  }
0x5c: {  	v1 =	vld [tilespmem:s15+$0x80]  }
0x5d: {  	v2 =	vld [tilespmem:s15+$0x180]  }
0x5e: {  	v3 =	vld [tilespmem:s15+$0x200]  }
0x5f: {  	v4 =	vld [tilespmem:s15+$0x100]  }
0x60: {  	v5 =	vld [tilespmem:s15+$0x280]  }
0x61: {  	v0 =	vmul.u32 $0x30, v0;
	v1 =	vmul.u32 $0xC, v1  }
0x62: {  	v2 =	vmul.u32 $0x60, v2  }
0x63: {  	v0 =	vadd.s32 v0, v1;
	v1 =	vshll.u32 v3, $0x2  }
0x64: {  	s17 =	simm.s32 $0x80;
	s19 =	simm.s32 $0x10;
	v0 =	vadd.s32 v4, v0;
	v1 =	vadd.s32 v2, v1  }
0x65: {  	s20 =	sand.u32 $0xC00, s17;
	s15 =	sand.u32 $0x70, s19;
	[tilespmem:s7+$0x0] =	vst v0;
	v0 =	vadd.s32 v5, v1  }
0x66: {  	s19 =	sor.u32 s15, s20;
	[tilespmem:s13+$0x0] =	vst v0  }
0x67: {  	s18 =	simm.s32 $0x20;
	s16 =	simm.s32 $0x1000;
	s15 =	simm.s32 $0x1200;
	v0 =	vld [tilespmem:s19+$0x0]  }
.LBB2_2:
0x68: {  	p0 =	sne.s32 s18, $0x1F0;
	v1 =	vld [tilespmem:s19+$0x80]  }
0x69: {  	v2 =	vld [tilespmem:s19+$0x180]  }
0x6a: {  	v3 =	vld [tilespmem:s19+$0x200]  }
0x6b: {  	v4 =	vld [tilespmem:s19+$0x100]  }
0x6c: {  	v5 =	vld [tilespmem:s19+$0x280]  }
0x6d: {  	v0 =	vmul.u32 $0x30, v0;
	v1 =	vmul.u32 $0xC, v1  }
0x6e: {  	v2 =	vmul.u32 $0x60, v2  }
.Ltmp0:
0x6f: {  	v0 =	vadd.s32 v0, v1;
	v1 =	vshll.u32 v3, $0x2;
	(pc) =	sbr.rel @p0 .LBB2_2-.Ltmp0, $4  }
0x70: {  	s17 =	sadd.s32 $0x80, s17;
	s16 =	sadd.s32 $0x10, s16;
	v0 =	vadd.s32 v4, v0;
	v1 =	vadd.s32 v2, v1  }
0x71: {  	s15 =	sadd.s32 $0x10, s15;
	s20 =	sand.u32 $0xC00, s17;
	s19 =	sand.u32 $0x70, s18;
	[tilespmem:s16+$0x0] =	vst v0;
	v0 =	vadd.s32 v5, v1  }
0x72: {  	s19 =	sor.u32 s19, s20;
	[tilespmem:s15+$0x0] =	vst v0  }
0x73: {  	s18 =	sadd.s32 $0x10, s18;
	v0 =	vld [tilespmem:s19+$0x0]  }
0x74: {  	v1 =	vld [tilespmem:s19+$0x80]  }
0x75: {  	v2 =	vld [tilespmem:s19+$0x180]  }
0x76: {  	v3 =	vld [tilespmem:s19+$0x200]  }
0x77: {  	v4 =	vld [tilespmem:s19+$0x100]  }
0x78: {  	v5 =	vld [tilespmem:s19+$0x280]  }
0x79: {  	v0 =	vmul.u32 $0x30, v0;
	v1 =	vmul.u32 $0xC, v1  }
0x7a: {  	v2 =	vmul.u32 $0x60, v2  }
0x7b: {  	v62 =	vshll.u32 v3, $0x2;
	v0 =	vadd.s32 v0, v1  }
0x7c: {  	s16 =	sadd.s32 $0x10, s16;
	v1 =	vadd.s32 v2, v62;
	v0 =	vadd.s32 v4, v0  }
0x7d: {  	s15 =	sadd.s32 $0x10, s15;
	v63 =	vadd.s32 v5, v1;
	[tilespmem:s16+$0x0] =	vst v0  }
0x7e: {  	[tilespmem:s15+$0x0] =	vst v63  }
0x7f: {  	[tilespmem:s8], [sflag:$0x1] =	stream.indirect.gather [hbm4b:s3+s0], $0x80, s7, s0, $0xb8;
	[tilespmem:$0x11400] =	vst v63  }
0x80: {  	s17 =	simm.s32 $0x1080  }
0x81: {  	[tilespmem:s9], [sflag:$0x1] =	stream.indirect.gather [hbm4b:s3+s0], $0x80, s17, s0, $0xb8;
	[tilespmem:$0x11400] =	vst v63  }
0x82: {  	s18 =	simm.s32 $0x1100  }
0x83: {  	[tilespmem:s10], [sflag:$0x1] =	stream.indirect.gather [hbm4b:s3+s0], $0x80, s18, s0, $0xb8;
	[tilespmem:$0x11400] =	vst v63  }
0x84: {  	s19 =	simm.s32 $0x1180  }
0x85: {  	[tilespmem:s11], [sflag:$0x1] =	stream.indirect.gather [hbm4b:s3+s0], $0x80, s19, s0, $0xb8;
	[tilespmem:$0x11400] =	vst v63  }
0x86: {  	_ =	swait.ge [sflag:s6], $0x4000  }
0x87: {  	[sflag:s6] =	ssyncset.done $0x0  }
0x88: {  	[sflag:s6] =	ssyncadd.s32 $0xFFFFC000  }
0x89: {  	_ =	swait.ge [sflag:s6], $0x4000  }
0x8a: {  	[sflag:s6] =	ssyncset.done $0x0  }
0x8b: {  	[sflag:s6] =	ssyncadd.s32 $0xFFFFC000  }
0x8c: {  	_ =	swait.ge [sflag:s6], $0x4000  }
0x8d: {  	[sflag:s6] =	ssyncset.done $0x0  }
0x8e: {  	[sflag:s6] =	ssyncadd.s32 $0xFFFFC000  }
0x8f: {  	_ =	swait.ge [sflag:s6], $0x4000  }
0x90: {  	[sflag:s6] =	ssyncset.done $0x0  }
0x91: {  	s20 =	rddreg [dreg:$0x8];
	[sflag:s6] =	ssyncadd.s32 $0xFFFFC000  }
0x92: {  	[hbm4b:s20+s2] =	stream.linear.scatter [tilespmem:s8], [sflag:$0x2], $0x10000, $0x38;
	[tilespmem:$0x11400] =	vst v63  }
0x93: {  	_ =	swait.ge [sflag:s12], $0x10000  }
0x94: {  	[sflag:s12] =	ssyncset.done $0x0  }
0x95: {  	[sflag:s12] =	ssyncadd.s32 $0xFFFF0000  }
0x96: {  	[tilespmem:s8], [sflag:$0x1] =	stream.indirect.gather [hbm4b:s4+s0], $0x80, s13, s0, $0xb8;
	[tilespmem:$0x11400] =	vst v63  }
0x97: {  	s16 =	simm.s32 $0x1280  }
0x98: {  	[tilespmem:s9], [sflag:$0x1] =	stream.indirect.gather [hbm4b:s4+s0], $0x80, s16, s0, $0xb8;
	[tilespmem:$0x11400] =	vst v63  }
0x99: {  	s17 =	simm.s32 $0x1300  }
0x9a: {  	[tilespmem:s10], [sflag:$0x1] =	stream.indirect.gather [hbm4b:s4+s0], $0x80, s17, s0, $0xb8;
	[tilespmem:$0x11400] =	vst v63  }
0x9b: {  	s18 =	simm.s32 $0x1380  }
0x9c: {  	[tilespmem:s11], [sflag:$0x1] =	stream.indirect.gather [hbm4b:s4+s0], $0x80, s18, s0, $0xb8;
	[tilespmem:$0x11400] =	vst v63  }
0x9d: {  	_ =	swait.ge [sflag:s6], $0x4000  }
0x9e: {  	[sflag:s6] =	ssyncset.done $0x0  }
0x9f: {  	[sflag:s6] =	ssyncadd.s32 $0xFFFFC000  }
0xa0: {  	_ =	swait.ge [sflag:s6], $0x4000  }
0xa1: {  	[sflag:s6] =	ssyncset.done $0x0  }
0xa2: {  	[sflag:s6] =	ssyncadd.s32 $0xFFFFC000  }
0xa3: {  	_ =	swait.ge [sflag:s6], $0x4000  }
0xa4: {  	[sflag:s6] =	ssyncset.done $0x0  }
0xa5: {  	[sflag:s6] =	ssyncadd.s32 $0xFFFFC000  }
0xa6: {  	_ =	swait.ge [sflag:s6], $0x4000  }
0xa7: {  	[sflag:s6] =	ssyncset.done $0x0  }
0xa8: {  	s19 =	rddreg [dreg:$0x9];
	[sflag:s6] =	ssyncadd.s32 $0xFFFFC000  }
0xa9: {  	[hbm4b:s19+s2] =	stream.linear.scatter [tilespmem:s8], [sflag:$0x2], $0x10000, $0x38;
	[tilespmem:$0x11400] =	vst v63  }
0xaa: {  	_ =	swait.ge [sflag:s12], $0x10000  }
0xab: {  	s14 =	sadd.s32 $0x1, s14;
	s20 =	rddreg [dreg:$0xa]  }
0xac: {  	p0 =	sne.s32 s14, s20  }
.Ltmp1:
0xad: {  	_ = 	snop;
	(pc) =	sbr.rel @p0 .LBB2_1-.Ltmp1, $3  }
0xae: {  	_ =	sdelay $0x1  }
0xaf: {  	[sflag:s12] =	ssyncset.done $0x0  }
0xb0: {  	[sflag:s12] =	ssyncadd.s32 $0xFFFF0000  }
0xb1: {  	_ =	sfence.sel $0x180000  }
0xb2: {  	[bflag:$0x0] =	sbarrier.arrive $0xFFFF  }
0xb3: {  	_ =	strace $0x90000047  }
0xb4: {  	s0 =	stileid.u32;
	[bflag:$0x2] =	sbarrier.arrive $0xFFFF  }
0xb5: {  	p0 =	sne.s32 s0, $0x0;
	s0 =	rddreg [dreg:$0x2]  }
0xb6: {  	s0 =	sadd.s32 @!p0 $0x100000, s0  }
0xb7: {  	[sflag:s0] =	ssyncadd.tile.s32 @!p0 $0x1;
	_ =	shalt  }
.Lfunc_end2:
_tile_overlayer_lowered:
.L_overlay_start_2:
0xb8: {  	(tag) =	ssettag $0x2  }
0xb9: {  	s0 =	rddreg [dreg:$0x0];
	s2 =	stileid.u32  }
0xba: {  	s1 =	rddreg [dreg:$0x1];
	p0 =	sne.s32 s2, $0x0  }
0xbb: {  	s3 =	rddreg [dreg:$0x2];
	[bflag:$0x3] =	sbarrier.arrive $0xFFFF;
	s2 =	simm.s32 @!p0 $0x1C02  }
0xbc: {  	[timem:s3], [sflag:s2] =	dma.local @!p0 [hbm:s0], s1  }
0xbd: {  	s0 =	simm.s32 @!p0 $0x2  }
0xbe: {  	_ =	swait.ge @!p0 [sflag:s0], s1  }
0xbf: {  	s1 =	ssub.s32 @!p0 $0x0, s1;
	[sflag:s0] =	ssyncset.done @!p0 $0x0  }
0xc0: {  	[sflag:s0] =	ssyncadd.s32 @!p0 s1  }
0xc1: {  	[bflag:$0x3] =	sbarrier.arrive $0xFFFF  }
0xc2: {  	_ =	shalt  }

</sc_bundles>
